<compile_context>
chip_gen: v7x
topology: tpu7x:2x2x1
jax: 0.10.2.dev20260603
libtpu: 0.0.44.dev20260713+nightly
codegen_flags: <defaults>
</compile_context>

<pallas_src>
import dataclasses
import functools

import jax
import jax.numpy as jnp
from jax import lax
from jax.experimental import pallas as pl
from jax.experimental.pallas import tpu as pltpu
from jax.experimental.pallas import tpu_sc as plsc

N_NODES = 10000
N_PAD = 10240
N_EDGES = 320000
CH = 128
CHH = CH // 2
NC, NS, L = 2, 16, 16
NW = NC * NS
CHUNK = 128
EPS = N_EDGES // NS
EPS_PAD = 20992
NCHUNK = EPS_PAD // CHUNK
SELF_PS = N_NODES // NS
EPW = N_EDGES // NW
HCHUNK = NCHUNK // 2
NBUF = 4
ROWS_PT = N_PAD // NS

_mesh = plsc.VectorSubcoreMesh(core_axis_name="c", subcore_axis_name="s")

_cp = pltpu.CompilerParams()
if "needs_layout_passes" in pltpu.CompilerParams.__dataclass_fields__:
    _cp = dataclasses.replace(_cp, needs_layout_passes=False)
_cp = dataclasses.replace(_cp, use_tc_tiling_on_sc=False)


@functools.partial(
    pl.kernel,
    out_type=jax.ShapeDtypeStruct((NW, N_PAD), jnp.float32),
    mesh=_mesh,
    scratch_types=[
        pltpu.VMEM((EPW,), jnp.int32),
        pltpu.VMEM((N_PAD,), jnp.float32),
    ],
    compiler_params=_cp,
)
def _hist_kernel(dst_hbm, out_hbm, idx_v, deg_v):
    wid = lax.axis_index("c") * NS + lax.axis_index("s")

    @pl.loop(0, N_PAD, step=L)
    def _(i):
        deg_v[pl.ds(i, L)] = jnp.zeros((L,), jnp.float32)

    pltpu.sync_copy(dst_hbm.at[pl.ds(wid * EPW, EPW)], idx_v)

    @pl.loop(0, EPW, step=L)
    def _(i):
        idx = idx_v[pl.ds(i, L)]
        cnt, last = plsc.scan_count(idx)
        plsc.addupdate_scatter(deg_v, [idx], cnt.astype(jnp.float32), mask=last)

    pltpu.sync_copy(deg_v, out_hbm.at[wid])


@functools.partial(
    pl.kernel,
    out_type=jax.ShapeDtypeStruct((N_PAD, CH), jnp.float32),
    mesh=_mesh,
    scratch_types=[
        pltpu.VMEM((NCHUNK, CHUNK), jnp.int32),
        pltpu.VMEM((NCHUNK, CHUNK), jnp.int32),
        [pltpu.VMEM((CHUNK, CHH), jnp.float32)] * NBUF,
        pltpu.VMEM_SHARED((N_PAD, CHH), jnp.float32),
        [pltpu.SemaphoreType.DMA] * NBUF,
        [pltpu.SemaphoreType.DMA] * NBUF,
    ],
    compiler_params=_cp,
)
def _scatter_kernel(h2_hbm, src_hbm, dst_hbm, zeros_hbm, out_hbm,
                    src_v, dst_v, bufs, acc, sg, ss):
    cid = lax.axis_index("c")
    sid = lax.axis_index("s")
    h2c = h2_hbm.at[cid]

    pltpu.sync_copy(zeros_hbm, acc.at[pl.ds(sid * ROWS_PT, ROWS_PT)])

    plsc.subcore_barrier()

    pltpu.sync_copy(src_hbm.at[sid], src_v)
    pltpu.sync_copy(dst_hbm.at[sid], dst_v)

    pltpu.async_copy(h2c.at[src_v.at[0]], bufs[0], sg[0])
    pltpu.async_copy(h2c.at[src_v.at[1]], bufs[1], sg[1])

    @pl.loop(0, NCHUNK, step=NBUF)
    def _(j):
        for k in range(NBUF):
            jj = j + k
            kn = (k + 2) % NBUF

            @pl.when(jj >= 2)
            def _():
                pltpu.make_async_copy(
                    bufs[kn], acc.at[dst_v.at[jj - 2]], ss[kn]).wait()

            @pl.when(jj + 2 < NCHUNK)
            def _():
                pltpu.async_copy(h2c.at[src_v.at[jj + 2]], bufs[kn], sg[kn])

            pltpu.make_async_copy(h2c.at[src_v.at[jj]], bufs[k], sg[k]).wait()
            pltpu.async_copy(bufs[k], acc.at[dst_v.at[jj]], ss[k], add=True)

    pltpu.make_async_copy(
        bufs[(NCHUNK - 2) % NBUF], acc.at[dst_v.at[NCHUNK - 2]],
        ss[(NCHUNK - 2) % NBUF]).wait()
    pltpu.make_async_copy(
        bufs[(NCHUNK - 1) % NBUF], acc.at[dst_v.at[NCHUNK - 1]],
        ss[(NCHUNK - 1) % NBUF]).wait()

    plsc.subcore_barrier()
    pltpu.sync_copy(acc.at[pl.ds(sid * ROWS_PT, ROWS_PT)],
                    out_hbm.at[pl.ds(sid * ROWS_PT, ROWS_PT),
                               pl.ds(cid * CHH, CHH)])


def _mm_body(x_ref, w_ref, h_ref):
    h_ref[...] = jnp.dot(x_ref[...], w_ref[...],
                         preferred_element_type=jnp.float32)


def _scale_body(deg_ref, h_ref, h2_ref):
    dis = lax.rsqrt(jnp.sum(deg_ref[...], axis=0) + 1.0)
    h2 = h_ref[...] * dis[:, None]
    h2_ref[0] = h2[:, :CHH]
    h2_ref[1] = h2[:, CHH:]


def _final_body(deg_ref, acc_ref, b_ref, out_ref):
    dis = lax.rsqrt(jnp.sum(deg_ref[...], axis=0) + 1.0)
    out_ref[...] = dis[:, None] * acc_ref[...] + b_ref[...]


_RB = 1024


def kernel(x, edge_index, W, b):
    src = edge_index[0].astype(jnp.int32)
    dst = edge_index[1].astype(jnp.int32)

    npad = EPS_PAD - EPS
    ntrash = npad - SELF_PS
    selfs = (jnp.arange(NS, dtype=jnp.int32)[:, None] * SELF_PS
             + jnp.arange(SELF_PS, dtype=jnp.int32)[None, :])
    trash_src = jnp.broadcast_to(
        (jnp.arange(ntrash, dtype=jnp.int32) * 13) % N_NODES, (NS, ntrash))
    trash_dst = jnp.broadcast_to(
        N_NODES + jnp.arange(ntrash, dtype=jnp.int32) % (N_PAD - N_NODES),
        (NS, ntrash))
    src3 = jnp.concatenate(
        [src.reshape(NS, EPS), selfs, trash_src],
        axis=1).reshape(NS, NCHUNK, CHUNK)
    dst3 = jnp.concatenate(
        [dst.reshape(NS, EPS), selfs, trash_dst],
        axis=1).reshape(NS, NCHUNK, CHUNK)

    degp = _hist_kernel(dst)

    h = pl.pallas_call(
        _mm_body,
        grid=(N_PAD // _RB,),
        in_specs=[
            pl.BlockSpec((_RB, CH), lambda i: (i, 0)),
            pl.BlockSpec((CH, CH), lambda i: (0, 0)),
        ],
        out_specs=pl.BlockSpec((_RB, CH), lambda i: (i, 0)),
        out_shape=jax.ShapeDtypeStruct((N_NODES, CH), jnp.float32),
    )(x, W)

    h2 = pl.pallas_call(
        _scale_body,
        grid=(N_PAD // _RB,),
        in_specs=[
            pl.BlockSpec((NW, _RB), lambda i: (0, i)),
            pl.BlockSpec((_RB, CH), lambda i: (i, 0)),
        ],
        out_specs=pl.BlockSpec((NC, _RB, CHH), lambda i: (0, i, 0)),
        out_shape=jax.ShapeDtypeStruct((NC, N_NODES, CHH), jnp.float32),
    )(degp, h)

    accp = _scatter_kernel(h2, src3, dst3,
                           jnp.zeros((ROWS_PT, CHH), jnp.float32))

    out = pl.pallas_call(
        _final_body,
        grid=(N_PAD // _RB,),
        in_specs=[
            pl.BlockSpec((NW, _RB), lambda i: (0, i)),
            pl.BlockSpec((_RB, CH), lambda i: (i, 0)),
            pl.BlockSpec((1, CH), lambda i: (0, 0)),
        ],
        out_specs=pl.BlockSpec((_RB, CH), lambda i: (i, 0)),
        out_shape=jax.ShapeDtypeStruct((N_NODES, CH), jnp.float32),
    )(degp, accp, b.reshape(1, CH))

    return out

# --- scband reference (transcript-rebuilt; emitter-appended) ---
"""Pipeline reference for scband-linear-encoder-30382598651961 (READ-ONLY COPY).

The authoritative reference and input builder live on the scoring server;
editing this copy changes nothing except your own understanding.
"""

import jax, jax.numpy as jnp
import numpy as np

N_NODES = 10000
N_EDGES = 320000
IN_CH = 128
OUT_CH = 128


def setup_inputs(seed: int = 0) -> dict:
    key = jax.random.key(seed)
    k1, k2, k3, k4 = jax.random.split(key, 4)
    x = jax.random.normal(k1, (N_NODES, IN_CH), dtype=jnp.float32)
    edge_index = jax.random.randint(k2, (2, N_EDGES), 0, N_NODES, dtype=jnp.int64)
    # GCNConv learned params: linear weight [in, out] (glorot), bias [out] (zeros init -> use small randn for generality)
    W = jax.random.normal(k3, (IN_CH, OUT_CH), dtype=jnp.float32) * (1.0 / np.sqrt(IN_CH))
    b = jnp.zeros((OUT_CH,), dtype=jnp.float32)
    return {"x": x, "edge_index": edge_index, "W": W, "b": b}


def reference(x, edge_index, W, b):
    # Faithful PyG GCNConv: add self-loops, symmetric normalization D^-1/2 (A+I) D^-1/2,
    # linear transform, message passing (sum aggregation), then bias.
    N = x.shape[0]
    src = edge_index[0]
    dst = edge_index[1]
    loop = jnp.arange(N, dtype=src.dtype)
    src = jnp.concatenate([src, loop])
    dst = jnp.concatenate([dst, loop])
    ones = jnp.ones(src.shape[0], dtype=x.dtype)
    deg = jax.ops.segment_sum(ones, dst, num_segments=N)
    deg_inv_sqrt = jnp.where(deg > 0, 1.0 / jnp.sqrt(deg), 0.0)
    norm = deg_inv_sqrt[src] * deg_inv_sqrt[dst]
    h = x @ W
    msg = h[src] * norm[:, None]
    out = jax.ops.segment_sum(msg, dst, num_segments=N)
    return out + b

if __name__ == "__main__":
    import jax
    _d = setup_inputs()
    print(jax.jit(kernel)(*tuple(_d.values())))

</pallas_src>

<mosaic_0001>
#map = affine_map<(d0, d1) -> (0)>
#map1 = affine_map<(d0, d1) -> (0, 0)>
module attributes {stable_mosaic.version = 14 : i64} {
  func.func @_hist_kernel(%arg0: i32, %arg1: i32, %arg2: memref<320000xi32, #tpu.memory_space<hbm>>, %arg3: memref<32x10240xf32, #tpu.memory_space<hbm>>, %arg4: memref<10000xi32, #tpu.memory_space<vmem>>, %arg5: memref<10240xf32, #tpu.memory_space<vmem>>) attributes {dimension_semantics = [#tpu.dimension_semantics<core_parallel>, #tpu.dimension_semantics<subcore_parallel>], iteration_bounds = array<i64: 2, 16>, scalar_prefetch = 0 : i64, scratch_operands = 2 : i64, tpu.core_type = #tpu.core_type<sc_vector_subcore>, window_params = [{transform_indices = #map}, {transform_indices = #map1}]} {
    %mul3A = arith.constant 16 : i32
    %mul3A_0 = arith.muli %arg0, %mul3A : i32
    %add3A = arith.addi %mul3A_0, %arg1 : i32
    %scan3A = arith.constant 0 : i32
    %scan3A_1 = arith.constant 640 : i32
    %scan3A_2 = arith.addi %scan3A, %scan3A_1 : i32
    %scan3A_3 = arith.constant 1 : i32
    scf.for %scan3A_12 = %scan3A to %scan3A_2 step %scan3A_3  : i32 {
      %mul3A_13 = arith.constant 16 : i32
      %mul3A_14 = arith.muli %scan3A_12, %mul3A_13 : i32
      %add3A_15 = arith.constant 0 : i32
      %add3A_16 = arith.addi %add3A_15, %mul3A_14 : i32
      %broadcast_in_dim3A = arith.constant 0.000000e+00 : f32
      %broadcast_in_dim3A_17 = vector.broadcast %broadcast_in_dim3A : f32 to vector<16xf32>
      %swap3A = arith.index_cast %add3A_16 : i32 to index
      %swap3A_18 = tpu.vector_load %arg5[%swap3A] {strides = array<i32>} : memref<10240xf32, #tpu.memory_space<vmem>>, vector<16xf32>,
      tpu.vector_store %arg5[%swap3A], %broadcast_in_dim3A_17 {strides = array<i32>} : memref<10240xf32, #tpu.memory_space<vmem>>, vector<16xf32>,
    }
    %scan3A_4 = arith.constant 640 : i32
    %mul3A_5 = arith.constant 10000 : i32
    %mul3A_6 = arith.muli %add3A, %mul3A_5 : i32
    "tpu.region"() ({
      %run_scoped3A = tpu.sem_alloc : memref<!tpu.dma_semaphore, #tpu.memory_space<semaphore_mem>>
      %dma_start3A = tpu.memref_slice %arg2[%mul3A_6] : memref<320000xi32, #tpu.memory_space<hbm>> -> memref<10000xi32, #tpu.memory_space<hbm>>
      %dma_start3A_12 = tpu.memref_slice %arg2[%mul3A_6] : memref<320000xi32, #tpu.memory_space<hbm>> -> memref<10000xi32, #tpu.memory_space<hbm>>
      tpu.enqueue_dma source(%dma_start3A_12 : memref<10000xi32, #tpu.memory_space<hbm>>) target(%arg4 : memref<10000xi32, #tpu.memory_space<vmem>>) target_semaphore(%run_scoped3A : memref<!tpu.dma_semaphore, #tpu.memory_space<semaphore_mem>>)
      %dma_wait3A = tpu.memref_slice %arg2[%mul3A_6] : memref<320000xi32, #tpu.memory_space<hbm>> -> memref<10000xi32, #tpu.memory_space<hbm>>
      %dma_wait3A_13 = tpu.memref_slice %arg2[%mul3A_6] : memref<320000xi32, #tpu.memory_space<hbm>> -> memref<10000xi32, #tpu.memory_space<hbm>>
      tpu.wait_dma2 semaphore(%run_scoped3A : memref<!tpu.dma_semaphore, #tpu.memory_space<semaphore_mem>>) src(%dma_wait3A_13 : memref<10000xi32, #tpu.memory_space<hbm>>) dst(%arg4 : memref<10000xi32, #tpu.memory_space<vmem>>)
      tpu.yield
    }) : () -> ()
    %scan3A_7 = arith.constant 0 : i32
    %scan3A_8 = arith.constant 625 : i32
    %scan3A_9 = arith.addi %scan3A_7, %scan3A_8 : i32
    %scan3A_10 = arith.constant 1 : i32
    scf.for %scan3A_12 = %scan3A_7 to %scan3A_9 step %scan3A_10  : i32 {
      %mul3A_13 = arith.constant 16 : i32
      %mul3A_14 = arith.muli %scan3A_12, %mul3A_13 : i32
      %add3A_15 = arith.constant 0 : i32
      %add3A_16 = arith.addi %add3A_15, %mul3A_14 : i32
      %get3A = arith.index_cast %add3A_16 : i32 to index
      %get3A_17 = tpu.vector_load %arg4[%get3A] {strides = array<i32>} : memref<10000xi32, #tpu.memory_space<vmem>>, vector<16xi32>,
      %broadcast_in_dim3A = arith.constant true
      %broadcast_in_dim3A_18 = vector.broadcast %broadcast_in_dim3A : i1 to vector<16xi1>
      %unique3A, %unique3A_19 = tpu.scan_count mask(%broadcast_in_dim3A_18 : vector<16xi1>) value(%get3A_17 : vector<16xi32>) : vector<16xi1>, vector<16xi32>
      %convert_element_type3A = arith.sitofp %unique3A_19 : vector<16xi32> to vector<16xf32>
      tpu.vector_store_idx %arg5[%get3A_17], %convert_element_type3A masked %unique3A {add = true} : memref<10240xf32, #tpu.memory_space<vmem>>[vector<16xi32>], vector<16xf32>, vector<16xi1>
    }
    %scan3A_11 = arith.constant 625 : i32
    "tpu.region"() ({
      %run_scoped3A = tpu.sem_alloc : memref<!tpu.dma_semaphore, #tpu.memory_space<semaphore_mem>>
      %dma_start3A = arith.constant 0 : i32
      %dma_start3A_12 = tpu.memref_slice %arg3[%add3A, %dma_start3A] : memref<32x10240xf32, #tpu.memory_space<hbm>> -> memref<1x10240xf32, #tpu.memory_space<hbm>>
      %dma_start3A_13 = tpu.memref_squeeze %dma_start3A_12 : memref<1x10240xf32, #tpu.memory_space<hbm>> -> memref<10240xf32, #tpu.memory_space<hbm>>
      %dma_start3A_14 = arith.constant 0 : i32
      %dma_start3A_15 = tpu.memref_slice %arg3[%add3A, %dma_start3A_14] : memref<32x10240xf32, #tpu.memory_space<hbm>> -> memref<1x10240xf32, #tpu.memory_space<hbm>>
      %dma_start3A_16 = tpu.memref_squeeze %dma_start3A_15 : memref<1x10240xf32, #tpu.memory_space<hbm>> -> memref<10240xf32, #tpu.memory_space<hbm>>
      tpu.enqueue_dma source(%arg5 : memref<10240xf32, #tpu.memory_space<vmem>>) target(%dma_start3A_16 : memref<10240xf32, #tpu.memory_space<hbm>>) target_semaphore(%run_scoped3A : memref<!tpu.dma_semaphore, #tpu.memory_space<semaphore_mem>>)
      %dma_wait3A = arith.constant 0 : i32
      %dma_wait3A_17 = tpu.memref_slice %arg3[%add3A, %dma_wait3A] : memref<32x10240xf32, #tpu.memory_space<hbm>> -> memref<1x10240xf32, #tpu.memory_space<hbm>>
      %dma_wait3A_18 = tpu.memref_squeeze %dma_wait3A_17 : memref<1x10240xf32, #tpu.memory_space<hbm>> -> memref<10240xf32, #tpu.memory_space<hbm>>
      %dma_wait3A_19 = arith.constant 0 : i32
      %dma_wait3A_20 = tpu.memref_slice %arg3[%add3A, %dma_wait3A_19] : memref<32x10240xf32, #tpu.memory_space<hbm>> -> memref<1x10240xf32, #tpu.memory_space<hbm>>
      %dma_wait3A_21 = tpu.memref_squeeze %dma_wait3A_20 : memref<1x10240xf32, #tpu.memory_space<hbm>> -> memref<10240xf32, #tpu.memory_space<hbm>>
      tpu.wait_dma2 semaphore(%run_scoped3A : memref<!tpu.dma_semaphore, #tpu.memory_space<semaphore_mem>>) src(%arg5 : memref<10240xf32, #tpu.memory_space<vmem>>) dst(%dma_wait3A_21 : memref<10240xf32, #tpu.memory_space<hbm>>)
      tpu.yield
    }) : () -> ()
    return
  }
}

#map = affine_map<(d0, d1) -> (0, 0, 0)>
#map1 = affine_map<(d0, d1) -> (0, 0)>
module attributes {stable_mosaic.version = 14 : i64} {
  func.func @_scatter_kernel(%arg0: i32, %arg1: i32, %arg2: memref<2x10000x64xf32, #tpu.memory_space<hbm>>, %arg3: memref<16x164x128xi32, #tpu.memory_space<hbm>>, %arg4: memref<16x164x128xi32, #tpu.memory_space<hbm>>, %arg5: memref<640x64xf32, #tpu.memory_space<hbm>>, %arg6: memref<10240x128xf32, #tpu.memory_space<hbm>>, %arg7: memref<164x128xi32, #tpu.memory_space<vmem>>, %arg8: memref<164x128xi32, #tpu.memory_space<vmem>>, %arg9: memref<128x64xf32, #tpu.memory_space<vmem>>, %arg10: memref<128x64xf32, #tpu.memory_space<vmem>>, %arg11: memref<128x64xf32, #tpu.memory_space<vmem>>, %arg12: memref<128x64xf32, #tpu.memory_space<vmem>>, %arg13: memref<10240x64xf32, #tpu.memory_space<vmem_shared>>, %arg14: memref<!tpu.dma_semaphore, #tpu.memory_space<semaphore_mem>>, %arg15: memref<!tpu.dma_semaphore, #tpu.memory_space<semaphore_mem>>, %arg16: memref<!tpu.dma_semaphore, #tpu.memory_space<semaphore_mem>>, %arg17: memref<!tpu.dma_semaphore, #tpu.memory_space<semaphore_mem>>, %arg18: memref<!tpu.dma_semaphore, #tpu.memory_space<semaphore_mem>>, %arg19: memref<!tpu.dma_semaphore, #tpu.memory_space<semaphore_mem>>, %arg20: memref<!tpu.dma_semaphore, #tpu.memory_space<semaphore_mem>>, %arg21: memref<!tpu.dma_semaphore, #tpu.memory_space<semaphore_mem>>) attributes {dimension_semantics = [#tpu.dimension_semantics<core_parallel>, #tpu.dimension_semantics<subcore_parallel>], iteration_bounds = array<i64: 2, 16>, scalar_prefetch = 0 : i64, scratch_operands = 15 : i64, tpu.core_type = #tpu.core_type<sc_vector_subcore>, window_params = [{transform_indices = #map}, {transform_indices = #map}, {transform_indices = #map}, {transform_indices = #map1}, {transform_indices = #map1}]} {
    %mul3A = arith.constant 640 : i32
    %mul3A_0 = arith.muli %arg1, %mul3A : i32
    "tpu.region"() ({
      %run_scoped3A = tpu.sem_alloc : memref<!tpu.dma_semaphore, #tpu.memory_space<semaphore_mem>>
      %dma_start3A_46 = arith.constant 0 : i32
      %dma_start3A_47 = tpu.memref_slice %arg13[%mul3A_0, %dma_start3A_46] : memref<10240x64xf32, #tpu.memory_space<vmem_shared>> -> memref<640x64xf32, #tpu.memory_space<vmem_shared>>
      tpu.enqueue_dma source(%arg5 : memref<640x64xf32, #tpu.memory_space<hbm>>) target(%dma_start3A_47 : memref<640x64xf32, #tpu.memory_space<vmem_shared>>) target_semaphore(%run_scoped3A : memref<!tpu.dma_semaphore, #tpu.memory_space<semaphore_mem>>)
      %dma_wait3A_48 = arith.constant 0 : i32
      %dma_wait3A_49 = tpu.memref_slice %arg13[%mul3A_0, %dma_wait3A_48] : memref<10240x64xf32, #tpu.memory_space<vmem_shared>> -> memref<640x64xf32, #tpu.memory_space<vmem_shared>>
      tpu.wait_dma2 semaphore(%run_scoped3A : memref<!tpu.dma_semaphore, #tpu.memory_space<semaphore_mem>>) src(%arg5 : memref<640x64xf32, #tpu.memory_space<hbm>>) dst(%dma_wait3A_49 : memref<640x64xf32, #tpu.memory_space<vmem_shared>>)
      tpu.yield
    }) : () -> ()
    %barrier3A = arith.constant 0 : index
    tpu.barrier barrier_id(%barrier3A)
    "tpu.region"() ({
      %run_scoped3A = tpu.sem_alloc : memref<!tpu.dma_semaphore, #tpu.memory_space<semaphore_mem>>
      %dma_start3A_46 = arith.constant 0 : i32
      %dma_start3A_47 = arith.constant 0 : i32
      %dma_start3A_48 = tpu.memref_slice %arg3[%arg1, %dma_start3A_46, %dma_start3A_47] : memref<16x164x128xi32, #tpu.memory_space<hbm>> -> memref<1x164x128xi32, #tpu.memory_space<hbm>>
      %dma_start3A_49 = tpu.memref_squeeze %dma_start3A_48 : memref<1x164x128xi32, #tpu.memory_space<hbm>> -> memref<164x128xi32, #tpu.memory_space<hbm>>
      %dma_start3A_50 = arith.constant 0 : i32
      %dma_start3A_51 = arith.constant 0 : i32
      %dma_start3A_52 = tpu.memref_slice %arg3[%arg1, %dma_start3A_50, %dma_start3A_51] : memref<16x164x128xi32, #tpu.memory_space<hbm>> -> memref<1x164x128xi32, #tpu.memory_space<hbm>>
      %dma_start3A_53 = tpu.memref_squeeze %dma_start3A_52 : memref<1x164x128xi32, #tpu.memory_space<hbm>> -> memref<164x128xi32, #tpu.memory_space<hbm>>
      tpu.enqueue_dma source(%dma_start3A_53 : memref<164x128xi32, #tpu.memory_space<hbm>>) target(%arg7 : memref<164x128xi32, #tpu.memory_space<vmem>>) target_semaphore(%run_scoped3A : memref<!tpu.dma_semaphore, #tpu.memory_space<semaphore_mem>>)
      %dma_wait3A_54 = arith.constant 0 : i32
      %dma_wait3A_55 = arith.constant 0 : i32
      %dma_wait3A_56 = tpu.memref_slice %arg3[%arg1, %dma_wait3A_54, %dma_wait3A_55] : memref<16x164x128xi32, #tpu.memory_space<hbm>> -> memref<1x164x128xi32, #tpu.memory_space<hbm>>
      %dma_wait3A_57 = tpu.memref_squeeze %dma_wait3A_56 : memref<1x164x128xi32, #tpu.memory_space<hbm>> -> memref<164x128xi32, #tpu.memory_space<hbm>>
      %dma_wait3A_58 = arith.constant 0 : i32
      %dma_wait3A_59 = arith.constant 0 : i32
      %dma_wait3A_60 = tpu.memref_slice %arg3[%arg1, %dma_wait3A_58, %dma_wait3A_59] : memref<16x164x128xi32, #tpu.memory_space<hbm>> -> memref<1x164x128xi32, #tpu.memory_space<hbm>>
      %dma_wait3A_61 = tpu.memref_squeeze %dma_wait3A_60 : memref<1x164x128xi32, #tpu.memory_space<hbm>> -> memref<164x128xi32, #tpu.memory_space<hbm>>
      tpu.wait_dma2 semaphore(%run_scoped3A : memref<!tpu.dma_semaphore, #tpu.memory_space<semaphore_mem>>) src(%dma_wait3A_61 : memref<164x128xi32, #tpu.memory_space<hbm>>) dst(%arg7 : memref<164x128xi32, #tpu.memory_space<vmem>>)
      tpu.yield
    }) : () -> ()
    "tpu.region"() ({
      %run_scoped3A = tpu.sem_alloc : memref<!tpu.dma_semaphore, #tpu.memory_space<semaphore_mem>>
      %dma_start3A_46 = arith.constant 0 : i32
      %dma_start3A_47 = arith.constant 0 : i32
      %dma_start3A_48 = tpu.memref_slice %arg4[%arg1, %dma_start3A_46, %dma_start3A_47] : memref<16x164x128xi32, #tpu.memory_space<hbm>> -> memref<1x164x128xi32, #tpu.memory_space<hbm>>
      %dma_start3A_49 = tpu.memref_squeeze %dma_start3A_48 : memref<1x164x128xi32, #tpu.memory_space<hbm>> -> memref<164x128xi32, #tpu.memory_space<hbm>>
      %dma_start3A_50 = arith.constant 0 : i32
      %dma_start3A_51 = arith.constant 0 : i32
      %dma_start3A_52 = tpu.memref_slice %arg4[%arg1, %dma_start3A_50, %dma_start3A_51] : memref<16x164x128xi32, #tpu.memory_space<hbm>> -> memref<1x164x128xi32, #tpu.memory_space<hbm>>
      %dma_start3A_53 = tpu.memref_squeeze %dma_start3A_52 : memref<1x164x128xi32, #tpu.memory_space<hbm>> -> memref<164x128xi32, #tpu.memory_space<hbm>>
      tpu.enqueue_dma source(%dma_start3A_53 : memref<164x128xi32, #tpu.memory_space<hbm>>) target(%arg8 : memref<164x128xi32, #tpu.memory_space<vmem>>) target_semaphore(%run_scoped3A : memref<!tpu.dma_semaphore, #tpu.memory_space<semaphore_mem>>)
      %dma_wait3A_54 = arith.constant 0 : i32
      %dma_wait3A_55 = arith.constant 0 : i32
      %dma_wait3A_56 = tpu.memref_slice %arg4[%arg1, %dma_wait3A_54, %dma_wait3A_55] : memref<16x164x128xi32, #tpu.memory_space<hbm>> -> memref<1x164x128xi32, #tpu.memory_space<hbm>>
      %dma_wait3A_57 = tpu.memref_squeeze %dma_wait3A_56 : memref<1x164x128xi32, #tpu.memory_space<hbm>> -> memref<164x128xi32, #tpu.memory_space<hbm>>
      %dma_wait3A_58 = arith.constant 0 : i32
      %dma_wait3A_59 = arith.constant 0 : i32
      %dma_wait3A_60 = tpu.memref_slice %arg4[%arg1, %dma_wait3A_58, %dma_wait3A_59] : memref<16x164x128xi32, #tpu.memory_space<hbm>> -> memref<1x164x128xi32, #tpu.memory_space<hbm>>
      %dma_wait3A_61 = tpu.memref_squeeze %dma_wait3A_60 : memref<1x164x128xi32, #tpu.memory_space<hbm>> -> memref<164x128xi32, #tpu.memory_space<hbm>>
      tpu.wait_dma2 semaphore(%run_scoped3A : memref<!tpu.dma_semaphore, #tpu.memory_space<semaphore_mem>>) src(%dma_wait3A_61 : memref<164x128xi32, #tpu.memory_space<hbm>>) dst(%arg8 : memref<164x128xi32, #tpu.memory_space<vmem>>)
      tpu.yield
    }) : () -> ()
    %dma_start3A = arith.constant 0 : i32
    %dma_start3A_1 = arith.constant 0 : i32
    %dma_start3A_2 = tpu.memref_slice %arg7[%dma_start3A, %dma_start3A_1] : memref<164x128xi32, #tpu.memory_space<vmem>> -> memref<1x128xi32, #tpu.memory_space<vmem>>
    %dma_start3A_3 = tpu.memref_squeeze %dma_start3A_2 : memref<1x128xi32, #tpu.memory_space<vmem>> -> memref<128xi32, #tpu.memory_space<vmem>>
    %dma_start3A_4 = arith.constant 0 : i32
    %dma_start3A_5 = arith.constant 0 : i32
    %dma_start3A_6 = tpu.memref_slice %arg2[%arg0, %dma_start3A_4, %dma_start3A_5] : memref<2x10000x64xf32, #tpu.memory_space<hbm>> -> memref<1x10000x64xf32, #tpu.memory_space<hbm>>
    %dma_start3A_7 = tpu.memref_squeeze %dma_start3A_6 : memref<1x10000x64xf32, #tpu.memory_space<hbm>> -> memref<10000x64xf32, #tpu.memory_space<hbm>>
    %dma_start3A_8 = arith.constant 0 : i32
    %dma_start3A_9 = arith.constant 0 : i32
    %dma_start3A_10 = tpu.memref_slice %dma_start3A_7[%dma_start3A_8, %dma_start3A_9] : memref<10000x64xf32, #tpu.memory_space<hbm>> -> memref<10000x64xf32, #tpu.memory_space<hbm>>
    tpu.enqueue_indirect_dma source(%dma_start3A_10 : memref<10000x64xf32, #tpu.memory_space<hbm>>) target(%arg9 : memref<128x64xf32, #tpu.memory_space<vmem>>) offsets(%dma_start3A_3 : memref<128xi32, #tpu.memory_space<vmem>>) semaphore(%arg14 : memref<!tpu.dma_semaphore, #tpu.memory_space<semaphore_mem>>)
    %dma_start3A_11 = arith.constant 1 : i32
    %dma_start3A_12 = arith.constant 0 : i32
    %dma_start3A_13 = tpu.memref_slice %arg7[%dma_start3A_11, %dma_start3A_12] : memref<164x128xi32, #tpu.memory_space<vmem>> -> memref<1x128xi32, #tpu.memory_space<vmem>>
    %dma_start3A_14 = tpu.memref_squeeze %dma_start3A_13 : memref<1x128xi32, #tpu.memory_space<vmem>> -> memref<128xi32, #tpu.memory_space<vmem>>
    %dma_start3A_15 = arith.constant 0 : i32
    %dma_start3A_16 = arith.constant 0 : i32
    %dma_start3A_17 = tpu.memref_slice %arg2[%arg0, %dma_start3A_15, %dma_start3A_16] : memref<2x10000x64xf32, #tpu.memory_space<hbm>> -> memref<1x10000x64xf32, #tpu.memory_space<hbm>>
    %dma_start3A_18 = tpu.memref_squeeze %dma_start3A_17 : memref<1x10000x64xf32, #tpu.memory_space<hbm>> -> memref<10000x64xf32, #tpu.memory_space<hbm>>
    %dma_start3A_19 = arith.constant 0 : i32
    %dma_start3A_20 = arith.constant 0 : i32
    %dma_start3A_21 = tpu.memref_slice %dma_start3A_18[%dma_start3A_19, %dma_start3A_20] : memref<10000x64xf32, #tpu.memory_space<hbm>> -> memref<10000x64xf32, #tpu.memory_space<hbm>>
    tpu.enqueue_indirect_dma source(%dma_start3A_21 : memref<10000x64xf32, #tpu.memory_space<hbm>>) target(%arg10 : memref<128x64xf32, #tpu.memory_space<vmem>>) offsets(%dma_start3A_14 : memref<128xi32, #tpu.memory_space<vmem>>) semaphore(%arg15 : memref<!tpu.dma_semaphore, #tpu.memory_space<semaphore_mem>>)
    %scan3A = arith.constant 0 : i32
    %scan3A_22 = arith.constant 41 : i32
    %scan3A_23 = arith.addi %scan3A, %scan3A_22 : i32
    %scan3A_24 = arith.constant 1 : i32
    scf.for %scan3A_46 = %scan3A to %scan3A_23 step %scan3A_24  : i32 {
      %mul3A_47 = arith.constant 4 : i32
      %mul3A_48 = arith.muli %scan3A_46, %mul3A_47 : i32
      %add3A = arith.constant 0 : i32
      %add3A_49 = arith.addi %add3A, %mul3A_48 : i32
      %add3A_50 = arith.constant 0 : i32
      %add3A_51 = arith.addi %add3A_49, %add3A_50 : i32
      %ge3A = arith.constant 2 : i32
      %ge3A_52 = arith.cmpi sge, %add3A_51, %ge3A : i32
      %convert_element_type3A = arith.extui %ge3A_52 : i1 to i32
      %cond3A = arith.constant 0 : i32
      %cond3A_53 = arith.cmpi ne, %convert_element_type3A, %cond3A : i32
      scf.if %cond3A_53 {
        %sub3A = arith.constant 2 : i32
        %sub3A_166 = arith.subi %add3A_51, %sub3A : i32
        %dma_wait3A_167 = arith.constant 0 : i32
        %dma_wait3A_168 = tpu.memref_slice %arg8[%sub3A_166, %dma_wait3A_167] : memref<164x128xi32, #tpu.memory_space<vmem>> -> memref<1x128xi32, #tpu.memory_space<vmem>>
        %dma_wait3A_169 = tpu.memref_squeeze %dma_wait3A_168 : memref<1x128xi32, #tpu.memory_space<vmem>> -> memref<128xi32, #tpu.memory_space<vmem>>
        %dma_wait3A_170 = arith.constant 0 : i32
        %dma_wait3A_171 = arith.constant 0 : i32
        %dma_wait3A_172 = tpu.memref_slice %arg13[%dma_wait3A_170, %dma_wait3A_171] : memref<10240x64xf32, #tpu.memory_space<vmem_shared>> -> memref<10240x64xf32, #tpu.memory_space<vmem_shared>>
        tpu.wait_indirect_dma semaphore(%arg20 : memref<!tpu.dma_semaphore, #tpu.memory_space<semaphore_mem>>) src(%arg11 : memref<128x64xf32, #tpu.memory_space<vmem>>) dst(%dma_wait3A_172 : memref<10240x64xf32, #tpu.memory_space<vmem_shared>>)
      } else {
      }
      %add3A_54 = arith.constant 2 : i32
      %add3A_55 = arith.addi %add3A_51, %add3A_54 : i32
      %lt3A = arith.constant 164 : i32
      %lt3A_56 = arith.cmpi slt, %add3A_55, %lt3A : i32
      %convert_element_type3A_57 = arith.extui %lt3A_56 : i1 to i32
      %cond3A_58 = arith.constant 0 : i32
      %cond3A_59 = arith.cmpi ne, %convert_element_type3A_57, %cond3A_58 : i32
      scf.if %cond3A_59 {
        %add3A_166 = arith.constant 2 : i32
        %add3A_167 = arith.addi %add3A_51, %add3A_166 : i32
        %dma_start3A_168 = arith.constant 0 : i32
        %dma_start3A_169 = tpu.memref_slice %arg7[%add3A_167, %dma_start3A_168] : memref<164x128xi32, #tpu.memory_space<vmem>> -> memref<1x128xi32, #tpu.memory_space<vmem>>
        %dma_start3A_170 = tpu.memref_squeeze %dma_start3A_169 : memref<1x128xi32, #tpu.memory_space<vmem>> -> memref<128xi32, #tpu.memory_space<vmem>>
        %dma_start3A_171 = arith.constant 0 : i32
        %dma_start3A_172 = arith.constant 0 : i32
        %dma_start3A_173 = tpu.memref_slice %arg2[%arg0, %dma_start3A_171, %dma_start3A_172] : memref<2x10000x64xf32, #tpu.memory_space<hbm>> -> memref<1x10000x64xf32, #tpu.memory_space<hbm>>
        %dma_start3A_174 = tpu.memref_squeeze %dma_start3A_173 : memref<1x10000x64xf32, #tpu.memory_space<hbm>> -> memref<10000x64xf32, #tpu.memory_space<hbm>>
        %dma_start3A_175 = arith.constant 0 : i32
        %dma_start3A_176 = arith.constant 0 : i32
        %dma_start3A_177 = tpu.memref_slice %dma_start3A_174[%dma_start3A_175, %dma_start3A_176] : memref<10000x64xf32, #tpu.memory_space<hbm>> -> memref<10000x64xf32, #tpu.memory_space<hbm>>
        tpu.enqueue_indirect_dma source(%dma_start3A_177 : memref<10000x64xf32, #tpu.memory_space<hbm>>) target(%arg11 : memref<128x64xf32, #tpu.memory_space<vmem>>) offsets(%dma_start3A_170 : memref<128xi32, #tpu.memory_space<vmem>>) semaphore(%arg16 : memref<!tpu.dma_semaphore, #tpu.memory_space<semaphore_mem>>)
      } else {
      }
      %dma_wait3A_60 = arith.constant 0 : i32
      %dma_wait3A_61 = tpu.memref_slice %arg7[%add3A_51, %dma_wait3A_60] : memref<164x128xi32, #tpu.memory_space<vmem>> -> memref<1x128xi32, #tpu.memory_space<vmem>>
      %dma_wait3A_62 = tpu.memref_squeeze %dma_wait3A_61 : memref<1x128xi32, #tpu.memory_space<vmem>> -> memref<128xi32, #tpu.memory_space<vmem>>
      %dma_wait3A_63 = arith.constant 0 : i32
      %dma_wait3A_64 = arith.constant 0 : i32
      %dma_wait3A_65 = tpu.memref_slice %arg2[%arg0, %dma_wait3A_63, %dma_wait3A_64] : memref<2x10000x64xf32, #tpu.memory_space<hbm>> -> memref<1x10000x64xf32, #tpu.memory_space<hbm>>
      %dma_wait3A_66 = tpu.memref_squeeze %dma_wait3A_65 : memref<1x10000x64xf32, #tpu.memory_space<hbm>> -> memref<10000x64xf32, #tpu.memory_space<hbm>>
      %dma_wait3A_67 = arith.constant 0 : i32
      %dma_wait3A_68 = arith.constant 0 : i32
      %dma_wait3A_69 = tpu.memref_slice %dma_wait3A_66[%dma_wait3A_67, %dma_wait3A_68] : memref<10000x64xf32, #tpu.memory_space<hbm>> -> memref<10000x64xf32, #tpu.memory_space<hbm>>
      tpu.wait_indirect_dma semaphore(%arg14 : memref<!tpu.dma_semaphore, #tpu.memory_space<semaphore_mem>>) src(%dma_wait3A_69 : memref<10000x64xf32, #tpu.memory_space<hbm>>) dst(%arg9 : memref<128x64xf32, #tpu.memory_space<vmem>>)
      %dma_start3A_70 = arith.constant 0 : i32
      %dma_start3A_71 = tpu.memref_slice %arg8[%add3A_51, %dma_start3A_70] : memref<164x128xi32, #tpu.memory_space<vmem>> -> memref<1x128xi32, #tpu.memory_space<vmem>>
      %dma_start3A_72 = tpu.memref_squeeze %dma_start3A_71 : memref<1x128xi32, #tpu.memory_space<vmem>> -> memref<128xi32, #tpu.memory_space<vmem>>
      %dma_start3A_73 = arith.constant 0 : i32
      %dma_start3A_74 = arith.constant 0 : i32
      %dma_start3A_75 = tpu.memref_slice %arg13[%dma_start3A_73, %dma_start3A_74] : memref<10240x64xf32, #tpu.memory_space<vmem_shared>> -> memref<10240x64xf32, #tpu.memory_space<vmem_shared>>
      tpu.enqueue_indirect_dma source(%arg9 : memref<128x64xf32, #tpu.memory_space<vmem>>) target(%dma_start3A_75 : memref<10240x64xf32, #tpu.memory_space<vmem_shared>>) offsets(%dma_start3A_72 : memref<128xi32, #tpu.memory_space<vmem>>) semaphore(%arg18 : memref<!tpu.dma_semaphore, #tpu.memory_space<semaphore_mem>>) {add = true}
      %add3A_76 = arith.constant 1 : i32
      %add3A_77 = arith.addi %add3A_49, %add3A_76 : i32
      %ge3A_78 = arith.constant 2 : i32
      %ge3A_79 = arith.cmpi sge, %add3A_77, %ge3A_78 : i32
      %convert_element_type3A_80 = arith.extui %ge3A_79 : i1 to i32
      %cond3A_81 = arith.constant 0 : i32
      %cond3A_82 = arith.cmpi ne, %convert_element_type3A_80, %cond3A_81 : i32
      scf.if %cond3A_82 {
        %sub3A = arith.constant 2 : i32
        %sub3A_166 = arith.subi %add3A_77, %sub3A : i32
        %dma_wait3A_167 = arith.constant 0 : i32
        %dma_wait3A_168 = tpu.memref_slice %arg8[%sub3A_166, %dma_wait3A_167] : memref<164x128xi32, #tpu.memory_space<vmem>> -> memref<1x128xi32, #tpu.memory_space<vmem>>
        %dma_wait3A_169 = tpu.memref_squeeze %dma_wait3A_168 : memref<1x128xi32, #tpu.memory_space<vmem>> -> memref<128xi32, #tpu.memory_space<vmem>>
        %dma_wait3A_170 = arith.constant 0 : i32
        %dma_wait3A_171 = arith.constant 0 : i32
        %dma_wait3A_172 = tpu.memref_slice %arg13[%dma_wait3A_170, %dma_wait3A_171] : memref<10240x64xf32, #tpu.memory_space<vmem_shared>> -> memref<10240x64xf32, #tpu.memory_space<vmem_shared>>
        tpu.wait_indirect_dma semaphore(%arg21 : memref<!tpu.dma_semaphore, #tpu.memory_space<semaphore_mem>>) src(%arg12 : memref<128x64xf32, #tpu.memory_space<vmem>>) dst(%dma_wait3A_172 : memref<10240x64xf32, #tpu.memory_space<vmem_shared>>)
      } else {
      }
      %add3A_83 = arith.constant 2 : i32
      %add3A_84 = arith.addi %add3A_77, %add3A_83 : i32
      %lt3A_85 = arith.constant 164 : i32
      %lt3A_86 = arith.cmpi slt, %add3A_84, %lt3A_85 : i32
      %convert_element_type3A_87 = arith.extui %lt3A_86 : i1 to i32
      %cond3A_88 = arith.constant 0 : i32
      %cond3A_89 = arith.cmpi ne, %convert_element_type3A_87, %cond3A_88 : i32
      scf.if %cond3A_89 {
        %add3A_166 = arith.constant 2 : i32
        %add3A_167 = arith.addi %add3A_77, %add3A_166 : i32
        %dma_start3A_168 = arith.constant 0 : i32
        %dma_start3A_169 = tpu.memref_slice %arg7[%add3A_167, %dma_start3A_168] : memref<164x128xi32, #tpu.memory_space<vmem>> -> memref<1x128xi32, #tpu.memory_space<vmem>>
        %dma_start3A_170 = tpu.memref_squeeze %dma_start3A_169 : memref<1x128xi32, #tpu.memory_space<vmem>> -> memref<128xi32, #tpu.memory_space<vmem>>
        %dma_start3A_171 = arith.constant 0 : i32
        %dma_start3A_172 = arith.constant 0 : i32
        %dma_start3A_173 = tpu.memref_slice %arg2[%arg0, %dma_start3A_171, %dma_start3A_172] : memref<2x10000x64xf32, #tpu.memory_space<hbm>> -> memref<1x10000x64xf32, #tpu.memory_space<hbm>>
        %dma_start3A_174 = tpu.memref_squeeze %dma_start3A_173 : memref<1x10000x64xf32, #tpu.memory_space<hbm>> -> memref<10000x64xf32, #tpu.memory_space<hbm>>
        %dma_start3A_175 = arith.constant 0 : i32
        %dma_start3A_176 = arith.constant 0 : i32
        %dma_start3A_177 = tpu.memref_slice %dma_start3A_174[%dma_start3A_175, %dma_start3A_176] : memref<10000x64xf32, #tpu.memory_space<hbm>> -> memref<10000x64xf32, #tpu.memory_space<hbm>>
        tpu.enqueue_indirect_dma source(%dma_start3A_177 : memref<10000x64xf32, #tpu.memory_space<hbm>>) target(%arg12 : memref<128x64xf32, #tpu.memory_space<vmem>>) offsets(%dma_start3A_170 : memref<128xi32, #tpu.memory_space<vmem>>) semaphore(%arg17 : memref<!tpu.dma_semaphore, #tpu.memory_space<semaphore_mem>>)
      } else {
      }
      %dma_wait3A_90 = arith.constant 0 : i32
      %dma_wait3A_91 = tpu.memref_slice %arg7[%add3A_77, %dma_wait3A_90] : memref<164x128xi32, #tpu.memory_space<vmem>> -> memref<1x128xi32, #tpu.memory_space<vmem>>
      %dma_wait3A_92 = tpu.memref_squeeze %dma_wait3A_91 : memref<1x128xi32, #tpu.memory_space<vmem>> -> memref<128xi32, #tpu.memory_space<vmem>>
      %dma_wait3A_93 = arith.constant 0 : i32
      %dma_wait3A_94 = arith.constant 0 : i32
      %dma_wait3A_95 = tpu.memref_slice %arg2[%arg0, %dma_wait3A_93, %dma_wait3A_94] : memref<2x10000x64xf32, #tpu.memory_space<hbm>> -> memref<1x10000x64xf32, #tpu.memory_space<hbm>>
      %dma_wait3A_96 = tpu.memref_squeeze %dma_wait3A_95 : memref<1x10000x64xf32, #tpu.memory_space<hbm>> -> memref<10000x64xf32, #tpu.memory_space<hbm>>
      %dma_wait3A_97 = arith.constant 0 : i32
      %dma_wait3A_98 = arith.constant 0 : i32
      %dma_wait3A_99 = tpu.memref_slice %dma_wait3A_96[%dma_wait3A_97, %dma_wait3A_98] : memref<10000x64xf32, #tpu.memory_space<hbm>> -> memref<10000x64xf32, #tpu.memory_space<hbm>>
      tpu.wait_indirect_dma semaphore(%arg15 : memref<!tpu.dma_semaphore, #tpu.memory_space<semaphore_mem>>) src(%dma_wait3A_99 : memref<10000x64xf32, #tpu.memory_space<hbm>>) dst(%arg10 : memref<128x64xf32, #tpu.memory_space<vmem>>)
      %dma_start3A_100 = arith.constant 0 : i32
      %dma_start3A_101 = tpu.memref_slice %arg8[%add3A_77, %dma_start3A_100] : memref<164x128xi32, #tpu.memory_space<vmem>> -> memref<1x128xi32, #tpu.memory_space<vmem>>
      %dma_start3A_102 = tpu.memref_squeeze %dma_start3A_101 : memref<1x128xi32, #tpu.memory_space<vmem>> -> memref<128xi32, #tpu.memory_space<vmem>>
      %dma_start3A_103 = arith.constant 0 : i32
      %dma_start3A_104 = arith.constant 0 : i32
      %dma_start3A_105 = tpu.memref_slice %arg13[%dma_start3A_103, %dma_start3A_104] : memref<10240x64xf32, #tpu.memory_space<vmem_shared>> -> memref<10240x64xf32, #tpu.memory_space<vmem_shared>>
      tpu.enqueue_indirect_dma source(%arg10 : memref<128x64xf32, #tpu.memory_space<vmem>>) target(%dma_start3A_105 : memref<10240x64xf32, #tpu.memory_space<vmem_shared>>) offsets(%dma_start3A_102 : memref<128xi32, #tpu.memory_space<vmem>>) semaphore(%arg19 : memref<!tpu.dma_semaphore, #tpu.memory_space<semaphore_mem>>) {add = true}
      %add3A_106 = arith.constant 2 : i32
      %add3A_107 = arith.addi %add3A_49, %add3A_106 : i32
      %ge3A_108 = arith.constant 2 : i32
      %ge3A_109 = arith.cmpi sge, %add3A_107, %ge3A_108 : i32
      %convert_element_type3A_110 = arith.extui %ge3A_109 : i1 to i32
      %cond3A_111 = arith.constant 0 : i32
      %cond3A_112 = arith.cmpi ne, %convert_element_type3A_110, %cond3A_111 : i32
      scf.if %cond3A_112 {
        %sub3A = arith.constant 2 : i32
        %sub3A_166 = arith.subi %add3A_107, %sub3A : i32
        %dma_wait3A_167 = arith.constant 0 : i32
        %dma_wait3A_168 = tpu.memref_slice %arg8[%sub3A_166, %dma_wait3A_167] : memref<164x128xi32, #tpu.memory_space<vmem>> -> memref<1x128xi32, #tpu.memory_space<vmem>>
        %dma_wait3A_169 = tpu.memref_squeeze %dma_wait3A_168 : memref<1x128xi32, #tpu.memory_space<vmem>> -> memref<128xi32, #tpu.memory_space<vmem>>
        %dma_wait3A_170 = arith.constant 0 : i32
        %dma_wait3A_171 = arith.constant 0 : i32
        %dma_wait3A_172 = tpu.memref_slice %arg13[%dma_wait3A_170, %dma_wait3A_171] : memref<10240x64xf32, #tpu.memory_space<vmem_shared>> -> memref<10240x64xf32, #tpu.memory_space<vmem_shared>>
        tpu.wait_indirect_dma semaphore(%arg18 : memref<!tpu.dma_semaphore, #tpu.memory_space<semaphore_mem>>) src(%arg9 : memref<128x64xf32, #tpu.memory_space<vmem>>) dst(%dma_wait3A_172 : memref<10240x64xf32, #tpu.memory_space<vmem_shared>>)
      } else {
      }
      %add3A_113 = arith.constant 2 : i32
      %add3A_114 = arith.addi %add3A_107, %add3A_113 : i32
      %lt3A_115 = arith.constant 164 : i32
      %lt3A_116 = arith.cmpi slt, %add3A_114, %lt3A_115 : i32
      %convert_element_type3A_117 = arith.extui %lt3A_116 : i1 to i32
      %cond3A_118 = arith.constant 0 : i32
      %cond3A_119 = arith.cmpi ne, %convert_element_type3A_117, %cond3A_118 : i32
      scf.if %cond3A_119 {
        %add3A_166 = arith.constant 2 : i32
        %add3A_167 = arith.addi %add3A_107, %add3A_166 : i32
        %dma_start3A_168 = arith.constant 0 : i32
        %dma_start3A_169 = tpu.memref_slice %arg7[%add3A_167, %dma_start3A_168] : memref<164x128xi32, #tpu.memory_space<vmem>> -> memref<1x128xi32, #tpu.memory_space<vmem>>
        %dma_start3A_170 = tpu.memref_squeeze %dma_start3A_169 : memref<1x128xi32, #tpu.memory_space<vmem>> -> memref<128xi32, #tpu.memory_space<vmem>>
        %dma_start3A_171 = arith.constant 0 : i32
        %dma_start3A_172 = arith.constant 0 : i32
        %dma_start3A_173 = tpu.memref_slice %arg2[%arg0, %dma_start3A_171, %dma_start3A_172] : memref<2x10000x64xf32, #tpu.memory_space<hbm>> -> memref<1x10000x64xf32, #tpu.memory_space<hbm>>
        %dma_start3A_174 = tpu.memref_squeeze %dma_start3A_173 : memref<1x10000x64xf32, #tpu.memory_space<hbm>> -> memref<10000x64xf32, #tpu.memory_space<hbm>>
        %dma_start3A_175 = arith.constant 0 : i32
        %dma_start3A_176 = arith.constant 0 : i32
        %dma_start3A_177 = tpu.memref_slice %dma_start3A_174[%dma_start3A_175, %dma_start3A_176] : memref<10000x64xf32, #tpu.memory_space<hbm>> -> memref<10000x64xf32, #tpu.memory_space<hbm>>
        tpu.enqueue_indirect_dma source(%dma_start3A_177 : memref<10000x64xf32, #tpu.memory_space<hbm>>) target(%arg9 : memref<128x64xf32, #tpu.memory_space<vmem>>) offsets(%dma_start3A_170 : memref<128xi32, #tpu.memory_space<vmem>>) semaphore(%arg14 : memref<!tpu.dma_semaphore, #tpu.memory_space<semaphore_mem>>)
      } else {
      }
      %dma_wait3A_120 = arith.constant 0 : i32
      %dma_wait3A_121 = tpu.memref_slice %arg7[%add3A_107, %dma_wait3A_120] : memref<164x128xi32, #tpu.memory_space<vmem>> -> memref<1x128xi32, #tpu.memory_space<vmem>>
      %dma_wait3A_122 = tpu.memref_squeeze %dma_wait3A_121 : memref<1x128xi32, #tpu.memory_space<vmem>> -> memref<128xi32, #tpu.memory_space<vmem>>
      %dma_wait3A_123 = arith.constant 0 : i32
      %dma_wait3A_124 = arith.constant 0 : i32
      %dma_wait3A_125 = tpu.memref_slice %arg2[%arg0, %dma_wait3A_123, %dma_wait3A_124] : memref<2x10000x64xf32, #tpu.memory_space<hbm>> -> memref<1x10000x64xf32, #tpu.memory_space<hbm>>
      %dma_wait3A_126 = tpu.memref_squeeze %dma_wait3A_125 : memref<1x10000x64xf32, #tpu.memory_space<hbm>> -> memref<10000x64xf32, #tpu.memory_space<hbm>>
      %dma_wait3A_127 = arith.constant 0 : i32
      %dma_wait3A_128 = arith.constant 0 : i32
      %dma_wait3A_129 = tpu.memref_slice %dma_wait3A_126[%dma_wait3A_127, %dma_wait3A_128] : memref<10000x64xf32, #tpu.memory_space<hbm>> -> memref<10000x64xf32, #tpu.memory_space<hbm>>
      tpu.wait_indirect_dma semaphore(%arg16 : memref<!tpu.dma_semaphore, #tpu.memory_space<semaphore_mem>>) src(%dma_wait3A_129 : memref<10000x64xf32, #tpu.memory_space<hbm>>) dst(%arg11 : memref<128x64xf32, #tpu.memory_space<vmem>>)
      %dma_start3A_130 = arith.constant 0 : i32
      %dma_start3A_131 = tpu.memref_slice %arg8[%add3A_107, %dma_start3A_130] : memref<164x128xi32, #tpu.memory_space<vmem>> -> memref<1x128xi32, #tpu.memory_space<vmem>>
      %dma_start3A_132 = tpu.memref_squeeze %dma_start3A_131 : memref<1x128xi32, #tpu.memory_space<vmem>> -> memref<128xi32, #tpu.memory_space<vmem>>
      %dma_start3A_133 = arith.constant 0 : i32
      %dma_start3A_134 = arith.constant 0 : i32
      %dma_start3A_135 = tpu.memref_slice %arg13[%dma_start3A_133, %dma_start3A_134] : memref<10240x64xf32, #tpu.memory_space<vmem_shared>> -> memref<10240x64xf32, #tpu.memory_space<vmem_shared>>
      tpu.enqueue_indirect_dma source(%arg11 : memref<128x64xf32, #tpu.memory_space<vmem>>) target(%dma_start3A_135 : memref<10240x64xf32, #tpu.memory_space<vmem_shared>>) offsets(%dma_start3A_132 : memref<128xi32, #tpu.memory_space<vmem>>) semaphore(%arg20 : memref<!tpu.dma_semaphore, #tpu.memory_space<semaphore_mem>>) {add = true}
      %add3A_136 = arith.constant 3 : i32
      %add3A_137 = arith.addi %add3A_49, %add3A_136 : i32
      %ge3A_138 = arith.constant 2 : i32
      %ge3A_139 = arith.cmpi sge, %add3A_137, %ge3A_138 : i32
      %convert_element_type3A_140 = arith.extui %ge3A_139 : i1 to i32
      %cond3A_141 = arith.constant 0 : i32
      %cond3A_142 = arith.cmpi ne, %convert_element_type3A_140, %cond3A_141 : i32
      scf.if %cond3A_142 {
        %sub3A = arith.constant 2 : i32
        %sub3A_166 = arith.subi %add3A_137, %sub3A : i32
        %dma_wait3A_167 = arith.constant 0 : i32
        %dma_wait3A_168 = tpu.memref_slice %arg8[%sub3A_166, %dma_wait3A_167] : memref<164x128xi32, #tpu.memory_space<vmem>> -> memref<1x128xi32, #tpu.memory_space<vmem>>
        %dma_wait3A_169 = tpu.memref_squeeze %dma_wait3A_168 : memref<1x128xi32, #tpu.memory_space<vmem>> -> memref<128xi32, #tpu.memory_space<vmem>>
        %dma_wait3A_170 = arith.constant 0 : i32
        %dma_wait3A_171 = arith.constant 0 : i32
        %dma_wait3A_172 = tpu.memref_slice %arg13[%dma_wait3A_170, %dma_wait3A_171] : memref<10240x64xf32, #tpu.memory_space<vmem_shared>> -> memref<10240x64xf32, #tpu.memory_space<vmem_shared>>
        tpu.wait_indirect_dma semaphore(%arg19 : memref<!tpu.dma_semaphore, #tpu.memory_space<semaphore_mem>>) src(%arg10 : memref<128x64xf32, #tpu.memory_space<vmem>>) dst(%dma_wait3A_172 : memref<10240x64xf32, #tpu.memory_space<vmem_shared>>)
      } else {
      }
      %add3A_143 = arith.constant 2 : i32
      %add3A_144 = arith.addi %add3A_137, %add3A_143 : i32
      %lt3A_145 = arith.constant 164 : i32
      %lt3A_146 = arith.cmpi slt, %add3A_144, %lt3A_145 : i32
      %convert_element_type3A_147 = arith.extui %lt3A_146 : i1 to i32
      %cond3A_148 = arith.constant 0 : i32
      %cond3A_149 = arith.cmpi ne, %convert_element_type3A_147, %cond3A_148 : i32
      scf.if %cond3A_149 {
        %add3A_166 = arith.constant 2 : i32
        %add3A_167 = arith.addi %add3A_137, %add3A_166 : i32
        %dma_start3A_168 = arith.constant 0 : i32
        %dma_start3A_169 = tpu.memref_slice %arg7[%add3A_167, %dma_start3A_168] : memref<164x128xi32, #tpu.memory_space<vmem>> -> memref<1x128xi32, #tpu.memory_space<vmem>>
        %dma_start3A_170 = tpu.memref_squeeze %dma_start3A_169 : memref<1x128xi32, #tpu.memory_space<vmem>> -> memref<128xi32, #tpu.memory_space<vmem>>
        %dma_start3A_171 = arith.constant 0 : i32
        %dma_start3A_172 = arith.constant 0 : i32
        %dma_start3A_173 = tpu.memref_slice %arg2[%arg0, %dma_start3A_171, %dma_start3A_172] : memref<2x10000x64xf32, #tpu.memory_space<hbm>> -> memref<1x10000x64xf32, #tpu.memory_space<hbm>>
        %dma_start3A_174 = tpu.memref_squeeze %dma_start3A_173 : memref<1x10000x64xf32, #tpu.memory_space<hbm>> -> memref<10000x64xf32, #tpu.memory_space<hbm>>
        %dma_start3A_175 = arith.constant 0 : i32
        %dma_start3A_176 = arith.constant 0 : i32
        %dma_start3A_177 = tpu.memref_slice %dma_start3A_174[%dma_start3A_175, %dma_start3A_176] : memref<10000x64xf32, #tpu.memory_space<hbm>> -> memref<10000x64xf32, #tpu.memory_space<hbm>>
        tpu.enqueue_indirect_dma source(%dma_start3A_177 : memref<10000x64xf32, #tpu.memory_space<hbm>>) target(%arg10 : memref<128x64xf32, #tpu.memory_space<vmem>>) offsets(%dma_start3A_170 : memref<128xi32, #tpu.memory_space<vmem>>) semaphore(%arg15 : memref<!tpu.dma_semaphore, #tpu.memory_space<semaphore_mem>>)
      } else {
      }
      %dma_wait3A_150 = arith.constant 0 : i32
      %dma_wait3A_151 = tpu.memref_slice %arg7[%add3A_137, %dma_wait3A_150] : memref<164x128xi32, #tpu.memory_space<vmem>> -> memref<1x128xi32, #tpu.memory_space<vmem>>
      %dma_wait3A_152 = tpu.memref_squeeze %dma_wait3A_151 : memref<1x128xi32, #tpu.memory_space<vmem>> -> memref<128xi32, #tpu.memory_space<vmem>>
      %dma_wait3A_153 = arith.constant 0 : i32
      %dma_wait3A_154 = arith.constant 0 : i32
      %dma_wait3A_155 = tpu.memref_slice %arg2[%arg0, %dma_wait3A_153, %dma_wait3A_154] : memref<2x10000x64xf32, #tpu.memory_space<hbm>> -> memref<1x10000x64xf32, #tpu.memory_space<hbm>>
      %dma_wait3A_156 = tpu.memref_squeeze %dma_wait3A_155 : memref<1x10000x64xf32, #tpu.memory_space<hbm>> -> memref<10000x64xf32, #tpu.memory_space<hbm>>
      %dma_wait3A_157 = arith.constant 0 : i32
      %dma_wait3A_158 = arith.constant 0 : i32
      %dma_wait3A_159 = tpu.memref_slice %dma_wait3A_156[%dma_wait3A_157, %dma_wait3A_158] : memref<10000x64xf32, #tpu.memory_space<hbm>> -> memref<10000x64xf32, #tpu.memory_space<hbm>>
      tpu.wait_indirect_dma semaphore(%arg17 : memref<!tpu.dma_semaphore, #tpu.memory_space<semaphore_mem>>) src(%dma_wait3A_159 : memref<10000x64xf32, #tpu.memory_space<hbm>>) dst(%arg12 : memref<128x64xf32, #tpu.memory_space<vmem>>)
      %dma_start3A_160 = arith.constant 0 : i32
      %dma_start3A_161 = tpu.memref_slice %arg8[%add3A_137, %dma_start3A_160] : memref<164x128xi32, #tpu.memory_space<vmem>> -> memref<1x128xi32, #tpu.memory_space<vmem>>
      %dma_start3A_162 = tpu.memref_squeeze %dma_start3A_161 : memref<1x128xi32, #tpu.memory_space<vmem>> -> memref<128xi32, #tpu.memory_space<vmem>>
      %dma_start3A_163 = arith.constant 0 : i32
      %dma_start3A_164 = arith.constant 0 : i32
      %dma_start3A_165 = tpu.memref_slice %arg13[%dma_start3A_163, %dma_start3A_164] : memref<10240x64xf32, #tpu.memory_space<vmem_shared>> -> memref<10240x64xf32, #tpu.memory_space<vmem_shared>>
      tpu.enqueue_indirect_dma source(%arg12 : memref<128x64xf32, #tpu.memory_space<vmem>>) target(%dma_start3A_165 : memref<10240x64xf32, #tpu.memory_space<vmem_shared>>) offsets(%dma_start3A_162 : memref<128xi32, #tpu.memory_space<vmem>>) semaphore(%arg21 : memref<!tpu.dma_semaphore, #tpu.memory_space<semaphore_mem>>) {add = true}
    }
    %scan3A_25 = arith.constant 41 : i32
    %dma_wait3A = arith.constant 162 : i32
    %dma_wait3A_26 = arith.constant 0 : i32
    %dma_wait3A_27 = tpu.memref_slice %arg8[%dma_wait3A, %dma_wait3A_26] : memref<164x128xi32, #tpu.memory_space<vmem>> -> memref<1x128xi32, #tpu.memory_space<vmem>>
    %dma_wait3A_28 = tpu.memref_squeeze %dma_wait3A_27 : memref<1x128xi32, #tpu.memory_space<vmem>> -> memref<128xi32, #tpu.memory_space<vmem>>
    %dma_wait3A_29 = arith.constant 0 : i32
    %dma_wait3A_30 = arith.constant 0 : i32
    %dma_wait3A_31 = tpu.memref_slice %arg13[%dma_wait3A_29, %dma_wait3A_30] : memref<10240x64xf32, #tpu.memory_space<vmem_shared>> -> memref<10240x64xf32, #tpu.memory_space<vmem_shared>>
    tpu.wait_indirect_dma semaphore(%arg20 : memref<!tpu.dma_semaphore, #tpu.memory_space<semaphore_mem>>) src(%arg11 : memref<128x64xf32, #tpu.memory_space<vmem>>) dst(%dma_wait3A_31 : memref<10240x64xf32, #tpu.memory_space<vmem_shared>>)
    %dma_wait3A_32 = arith.constant 163 : i32
    %dma_wait3A_33 = arith.constant 0 : i32
    %dma_wait3A_34 = tpu.memref_slice %arg8[%dma_wait3A_32, %dma_wait3A_33] : memref<164x128xi32, #tpu.memory_space<vmem>> -> memref<1x128xi32, #tpu.memory_space<vmem>>
    %dma_wait3A_35 = tpu.memref_squeeze %dma_wait3A_34 : memref<1x128xi32, #tpu.memory_space<vmem>> -> memref<128xi32, #tpu.memory_space<vmem>>
    %dma_wait3A_36 = arith.constant 0 : i32
    %dma_wait3A_37 = arith.constant 0 : i32
    %dma_wait3A_38 = tpu.memref_slice %arg13[%dma_wait3A_36, %dma_wait3A_37] : memref<10240x64xf32, #tpu.memory_space<vmem_shared>> -> memref<10240x64xf32, #tpu.memory_space<vmem_shared>>
    tpu.wait_indirect_dma semaphore(%arg21 : memref<!tpu.dma_semaphore, #tpu.memory_space<semaphore_mem>>) src(%arg12 : memref<128x64xf32, #tpu.memory_space<vmem>>) dst(%dma_wait3A_38 : memref<10240x64xf32, #tpu.memory_space<vmem_shared>>)
    %barrier3A_39 = arith.constant 0 : index
    tpu.barrier barrier_id(%barrier3A_39)
    %mul3A_40 = arith.constant 640 : i32
    %mul3A_41 = arith.muli %arg1, %mul3A_40 : i32
    %mul3A_42 = arith.constant 640 : i32
    %mul3A_43 = arith.muli %arg1, %mul3A_42 : i32
    %mul3A_44 = arith.constant 64 : i32
    %mul3A_45 = arith.muli %arg0, %mul3A_44 : i32
    "tpu.region"() ({
      %run_scoped3A = tpu.sem_alloc : memref<!tpu.dma_semaphore, #tpu.memory_space<semaphore_mem>>
      %dma_start3A_46 = tpu.memref_slice %arg6[%mul3A_43, %mul3A_45] : memref<10240x128xf32, #tpu.memory_space<hbm>> -> memref<640x64xf32, #tpu.memory_space<hbm>>
      %dma_start3A_47 = arith.constant 0 : i32
      %dma_start3A_48 = tpu.memref_slice %arg13[%mul3A_41, %dma_start3A_47] : memref<10240x64xf32, #tpu.memory_space<vmem_shared>> -> memref<640x64xf32, #tpu.memory_space<vmem_shared>>
      tpu.enqueue_dma source(%dma_start3A_48 : memref<640x64xf32, #tpu.memory_space<vmem_shared>>) target(%dma_start3A_46 : memref<640x64xf32, #tpu.memory_space<hbm>>) target_semaphore(%run_scoped3A : memref<!tpu.dma_semaphore, #tpu.memory_space<semaphore_mem>>)
      %dma_wait3A_49 = tpu.memref_slice %arg6[%mul3A_43, %mul3A_45] : memref<10240x128xf32, #tpu.memory_space<hbm>> -> memref<640x64xf32, #tpu.memory_space<hbm>>
      %dma_wait3A_50 = arith.constant 0 : i32
      %dma_wait3A_51 = tpu.memref_slice %arg13[%mul3A_41, %dma_wait3A_50] : memref<10240x64xf32, #tpu.memory_space<vmem_shared>> -> memref<640x64xf32, #tpu.memory_space<vmem_shared>>
      tpu.wait_dma2 semaphore(%run_scoped3A : memref<!tpu.dma_semaphore, #tpu.memory_space<semaphore_mem>>) src(%dma_wait3A_51 : memref<640x64xf32, #tpu.memory_space<vmem_shared>>) dst(%dma_wait3A_49 : memref<640x64xf32, #tpu.memory_space<hbm>>)
      tpu.yield
    }) : () -> ()
    return
  }
}

module attributes {stable_mosaic.version = 14 : i64} {
  func.func @_mm_body(%arg0: i32, %arg1: memref<1024x128xf32, #tpu.memory_space<vmem>>, %arg2: memref<128x128xf32, #tpu.memory_space<vmem>>, %arg3: memref<1024x128xf32, #tpu.memory_space<vmem>>) attributes {dimension_semantics = [#tpu.dimension_semantics<arbitrary>], iteration_bounds = array<i64: 10>, scalar_prefetch = 0 : i64, scratch_operands = 0 : i64, tpu.core_type = #tpu.core_type<tc>, window_params = [{transform_indices = @transform_0, window_bounds = array<i64: 1024, 128>}, {pipeline_mode = #tpu.pipeline_mode<synchronous>, transform_indices = @transform_1, window_bounds = array<i64: 128, 128>}, {transform_indices = @transform_2, window_bounds = array<i64: 1024, 128>}]} {
    %get3A = arith.constant 0 : index
    %get3A_0 = arith.constant 0 : index
    %get3A_1 = vector.load %arg1[%get3A, %get3A_0] : memref<1024x128xf32, #tpu.memory_space<vmem>>, vector<1024x128xf32>
    %get3A_2 = arith.constant 0 : index
    %get3A_3 = arith.constant 0 : index
    %get3A_4 = vector.load %arg2[%get3A_2, %get3A_3] : memref<128x128xf32, #tpu.memory_space<vmem>>, vector<128x128xf32>
    %dot_general3A = arith.constant dense<0.000000e+00> : vector<1024x128xf32>
    %dot_general3A_5 = tpu.matmul %get3A_1, %get3A_4, %dot_general3A {dimension_numbers = #tpu.dot_dimension_numbers<[1], [0], [0], [1], [0, 0, 1, 1], [], []>, transpose_lhs_hint = false} : vector<1024x128xf32>, vector<128x128xf32>, vector<1024x128xf32> -> vector<1024x128xf32>
    %swap3A = arith.constant 0 : index
    %swap3A_6 = arith.constant 0 : index
    %swap3A_7 = vector.load %arg3[%swap3A, %swap3A_6] : memref<1024x128xf32, #tpu.memory_space<vmem>>, vector<1024x128xf32>
    tpu.vector_store %arg3[%swap3A, %swap3A_6], %dot_general3A_5 {strides = array<i32>} : memref<1024x128xf32, #tpu.memory_space<vmem>>, vector<1024x128xf32>,
    return
  }
  func.func @transform_0(%arg0: i32) -> (i32, i32) {
    %c0_i32 = arith.constant 0 : i32
    %c0_i32_0 = arith.constant 0 : i32
    return %arg0, %c0_i32 : i32, i32
  }
  func.func @transform_1(%arg0: i32) -> (i32, i32) {
    %c0_i32 = arith.constant 0 : i32
    %c0_i32_0 = arith.constant 0 : i32
    %c0_i32_1 = arith.constant 0 : i32
    return %c0_i32, %c0_i32_0 : i32, i32
  }
  func.func @transform_2(%arg0: i32) -> (i32, i32) {
    %c0_i32 = arith.constant 0 : i32
    %c0_i32_0 = arith.constant 0 : i32
    return %arg0, %c0_i32 : i32, i32
  }
}

module attributes {stable_mosaic.version = 14 : i64} {
  func.func @_scale_body(%arg0: i32, %arg1: memref<32x1024xf32, #tpu.memory_space<vmem>>, %arg2: memref<1024x128xf32, #tpu.memory_space<vmem>>, %arg3: memref<2x1024x64xf32, #tpu.memory_space<vmem>>) attributes {dimension_semantics = [#tpu.dimension_semantics<arbitrary>], iteration_bounds = array<i64: 10>, scalar_prefetch = 0 : i64, scratch_operands = 0 : i64, tpu.core_type = #tpu.core_type<tc>, window_params = [{transform_indices = @transform_0, window_bounds = array<i64: 32, 1024>}, {transform_indices = @transform_1, window_bounds = array<i64: 1024, 128>}, {transform_indices = @transform_2, window_bounds = array<i64: 2, 1024, 64>}]} {
    %get3A = arith.constant 0 : index
    %get3A_0 = arith.constant 0 : index
    %get3A_1 = vector.load %arg1[%get3A, %get3A_0] : memref<32x1024xf32, #tpu.memory_space<vmem>>, vector<32x1024xf32>
    %reduce_sum3A = arith.constant dense<0.000000e+00> : vector<1024xf32>
    %reduce_sum3A_2 = vector.multi_reduction <add>, %get3A_1, %reduce_sum3A [0] : vector<32x1024xf32> to vector<1024xf32>
    %add3A = arith.constant 1.000000e+00 : f32
    %add3A_3 = vector.broadcast %add3A : f32 to vector<1024xf32>
    %add3A_4 = arith.addf %reduce_sum3A_2, %add3A_3 : vector<1024xf32>
    %rsqrt3A = math.rsqrt %add3A_4 : vector<1024xf32>
    %get3A_5 = arith.constant 0 : index
    %get3A_6 = arith.constant 0 : index
    %get3A_7 = vector.load %arg2[%get3A_5, %get3A_6] : memref<1024x128xf32, #tpu.memory_space<vmem>>, vector<1024x128xf32>
    %broadcast_in_dim3A = vector.shape_cast %rsqrt3A : vector<1024xf32> to vector<1024x1xf32>
    %mul3A = vector.broadcast %broadcast_in_dim3A : vector<1024x1xf32> to vector<1024x128xf32>
    %mul3A_8 = arith.mulf %get3A_7, %mul3A : vector<1024x128xf32>
    %slice3A = vector.extract_strided_slice %mul3A_8 {offsets = [0, 0], sizes = [1024, 64], strides = [1, 1]} : vector<1024x128xf32> to vector<1024x64xf32>
    %swap3A = arith.constant 0 : index
    %swap3A_9 = arith.constant 0 : index
    %swap3A_10 = arith.constant 0 : index
    %swap3A_11 = vector.load %arg3[%swap3A, %swap3A_9, %swap3A_10] : memref<2x1024x64xf32, #tpu.memory_space<vmem>>, vector<1x1024x64xf32>
    %swap3A_12 = vector.shape_cast %swap3A_11 : vector<1x1024x64xf32> to vector<1024x64xf32>
    %swap3A_13 = vector.shape_cast %slice3A : vector<1024x64xf32> to vector<1x1024x64xf32>
    tpu.vector_store %arg3[%swap3A, %swap3A_9, %swap3A_10], %swap3A_13 {strides = array<i32>} : memref<2x1024x64xf32, #tpu.memory_space<vmem>>, vector<1x1024x64xf32>,
    %slice3A_14 = vector.extract_strided_slice %mul3A_8 {offsets = [0, 64], sizes = [1024, 64], strides = [1, 1]} : vector<1024x128xf32> to vector<1024x64xf32>
    %swap3A_15 = arith.constant 1 : index
    %swap3A_16 = arith.constant 0 : index
    %swap3A_17 = arith.constant 0 : index
    %swap3A_18 = vector.load %arg3[%swap3A_15, %swap3A_16, %swap3A_17] : memref<2x1024x64xf32, #tpu.memory_space<vmem>>, vector<1x1024x64xf32>
    %swap3A_19 = vector.shape_cast %swap3A_18 : vector<1x1024x64xf32> to vector<1024x64xf32>
    %swap3A_20 = vector.shape_cast %slice3A_14 : vector<1024x64xf32> to vector<1x1024x64xf32>
    tpu.vector_store %arg3[%swap3A_15, %swap3A_16, %swap3A_17], %swap3A_20 {strides = array<i32>} : memref<2x1024x64xf32, #tpu.memory_space<vmem>>, vector<1x1024x64xf32>,
    return
  }
  func.func @transform_0(%arg0: i32) -> (i32, i32) {
    %c0_i32 = arith.constant 0 : i32
    %c0_i32_0 = arith.constant 0 : i32
    return %c0_i32, %arg0 : i32, i32
  }
  func.func @transform_1(%arg0: i32) -> (i32, i32) {
    %c0_i32 = arith.constant 0 : i32
    %c0_i32_0 = arith.constant 0 : i32
    return %arg0, %c0_i32 : i32, i32
  }
  func.func @transform_2(%arg0: i32) -> (i32, i32, i32) {
    %c0_i32 = arith.constant 0 : i32
    %c0_i32_0 = arith.constant 0 : i32
    %c0_i32_1 = arith.constant 0 : i32
    return %c0_i32, %arg0, %c0_i32_0 : i32, i32, i32
  }
}

module attributes {stable_mosaic.version = 14 : i64} {
  func.func @_final_body(%arg0: i32, %arg1: memref<32x1024xf32, #tpu.memory_space<vmem>>, %arg2: memref<1024x128xf32, #tpu.memory_space<vmem>>, %arg3: memref<1x128xf32, #tpu.memory_space<vmem>>, %arg4: memref<1024x128xf32, #tpu.memory_space<vmem>>) attributes {dimension_semantics = [#tpu.dimension_semantics<arbitrary>], iteration_bounds = array<i64: 10>, scalar_prefetch = 0 : i64, scratch_operands = 0 : i64, tpu.core_type = #tpu.core_type<tc>, window_params = [{transform_indices = @transform_0, window_bounds = array<i64: 32, 1024>}, {transform_indices = @transform_1, window_bounds = array<i64: 1024, 128>}, {pipeline_mode = #tpu.pipeline_mode<synchronous>, transform_indices = @transform_2, window_bounds = array<i64: 1, 128>}, {transform_indices = @transform_3, window_bounds = array<i64: 1024, 128>}]} {
    %get3A = arith.constant 0 : index
    %get3A_0 = arith.constant 0 : index
    %get3A_1 = vector.load %arg1[%get3A, %get3A_0] : memref<32x1024xf32, #tpu.memory_space<vmem>>, vector<32x1024xf32>
    %reduce_sum3A = arith.constant dense<0.000000e+00> : vector<1024xf32>
    %reduce_sum3A_2 = vector.multi_reduction <add>, %get3A_1, %reduce_sum3A [0] : vector<32x1024xf32> to vector<1024xf32>
    %add3A = arith.constant 1.000000e+00 : f32
    %add3A_3 = vector.broadcast %add3A : f32 to vector<1024xf32>
    %add3A_4 = arith.addf %reduce_sum3A_2, %add3A_3 : vector<1024xf32>
    %rsqrt3A = math.rsqrt %add3A_4 : vector<1024xf32>
    %broadcast_in_dim3A = vector.shape_cast %rsqrt3A : vector<1024xf32> to vector<1024x1xf32>
    %get3A_5 = arith.constant 0 : index
    %get3A_6 = arith.constant 0 : index
    %get3A_7 = vector.load %arg2[%get3A_5, %get3A_6] : memref<1024x128xf32, #tpu.memory_space<vmem>>, vector<1024x128xf32>
    %mul3A = vector.broadcast %broadcast_in_dim3A : vector<1024x1xf32> to vector<1024x128xf32>
    %mul3A_8 = arith.mulf %mul3A, %get3A_7 : vector<1024x128xf32>
    %get3A_9 = arith.constant 0 : index
    %get3A_10 = arith.constant 0 : index
    %get3A_11 = vector.load %arg3[%get3A_9, %get3A_10] : memref<1x128xf32, #tpu.memory_space<vmem>>, vector<1x128xf32>
    %add3A_12 = vector.broadcast %get3A_11 : vector<1x128xf32> to vector<1024x128xf32>
    %add3A_13 = arith.addf %mul3A_8, %add3A_12 : vector<1024x128xf32>
    %swap3A = arith.constant 0 : index
    %swap3A_14 = arith.constant 0 : index
    %swap3A_15 = vector.load %arg4[%swap3A, %swap3A_14] : memref<1024x128xf32, #tpu.memory_space<vmem>>, vector<1024x128xf32>
    tpu.vector_store %arg4[%swap3A, %swap3A_14], %add3A_13 {strides = array<i32>} : memref<1024x128xf32, #tpu.memory_space<vmem>>, vector<1024x128xf32>,
    return
  }
  func.func @transform_0(%arg0: i32) -> (i32, i32) {
    %c0_i32 = arith.constant 0 : i32
    %c0_i32_0 = arith.constant 0 : i32
    return %c0_i32, %arg0 : i32, i32
  }
  func.func @transform_1(%arg0: i32) -> (i32, i32) {
    %c0_i32 = arith.constant 0 : i32
    %c0_i32_0 = arith.constant 0 : i32
    return %arg0, %c0_i32 : i32, i32
  }
  func.func @transform_2(%arg0: i32) -> (i32, i32) {
    %c0_i32 = arith.constant 0 : i32
    %c0_i32_0 = arith.constant 0 : i32
    %c0_i32_1 = arith.constant 0 : i32
    return %c0_i32, %c0_i32_0 : i32, i32
  }
  func.func @transform_3(%arg0: i32) -> (i32, i32) {
    %c0_i32 = arith.constant 0 : i32
    %c0_i32_0 = arith.constant 0 : i32
    return %arg0, %c0_i32 : i32, i32
  }
}

</mosaic_0001>

<sc_bundles>
// kernel: kernel.10.cloned.1.call-start
scs
__scs_entry_jumppad:
0x0: {  	(pc) =	sbr.rel $0x88, $3  }
0x1: {  	(tag) =	ssettag $0x0;
	lr =	simm.s32 $0x1  }
0x2: {  	[smem:$0x3F9D] =	sst lr;
	_ =	strace $0xD0000000  }
0x3: {  	_ = 	snop  }
0x4: {  	_ = 	snop  }
0x5: {  	_ = 	snop  }
0x6: {  	_ = 	snop  }
0x7: {  	_ = 	snop  }
__scs_overlays_trampoline_lowered:
0x8: {  	[smem:$0x3FAC] =	sst s0  }
0x9: {  	[smem:$0x3FAD] =	sst s1  }
0xa: {  	[smem:$0x3FAE] =	sst s2  }
0xb: {  	[smem:$0x3FAF] =	sst s3  }
0xc: {  	[smem:$0x3FB0] =	sst s4  }
0xd: {  	[smem:$0x3FB1] =	sst s5  }
0xe: {  	[smem:$0x3FB2] =	sst s6  }
0xf: {  	[smem:$0x3FB3] =	sst s7  }
0x10: {  	[smem:$0x3FB4] =	sst s8  }
0x11: {  	[smem:$0x3FB5] =	sst s9;
	s0 =	simm.s32 @!p0 $0x0  }
0x12: {  	s1 =	sld [smem:$0x3F9B];
	s0 =	simm.s32 @p0 $0x1  }
0x13: {  	[smem:$0x3FB6] =	sst s0;
	s0 =	simm.s32 @!p1 $0x0  }
0x14: {  	s2 =	sld [smem:$0x3F9A];
	s0 =	simm.s32 @p1 $0x1  }
0x15: {  	[smem:$0x3FB7] =	sst s0;
	s0 =	simm.s32 @!p2 $0x0  }
0x16: {  	s3 =	sld [smem:$0x3FDB];
	s0 =	simm.s32 @p2 $0x1  }
0x17: {  	s4 =	simm.s32 $0x1BF5;
	[smem:$0x3FB9] =	sst s0  }
0x18: {  	s0 =	sld [smem:$0x3F9C];
	_ =	swait.ge [sflag:s4], $0x0  }
0x19: {  	s7 =	sld [smem:$0x3F9D]  }
0x1a: {  	s8 =	sadd.s32 $0xFFFFE003, lr  }
0x1b: {  	s9 =	sadd.s32 $0xFFFFFEF7, lr;
	s5 =	simm.s32 $0xFFFFFFFF;
	p2 =	slt.u32 s8, $0xFFFFF086  }
0x1c: {  	p1 =	slt.u32 s9, $0xF7A;
	s5 =	simm.s32 @!p2 $0x0  }
0x1d: {  	s5 =	simm.s32 @p1 $0x1;
	p0 =	seq.s32 s7, s2  }
0x1e: {  	s7 =	smul.u32 @!p0 $0xF7A, s2;
	p2 =	seq.s32 @!p0 s5, $0x0  }
0x1f: {  	s9 =	smul.u32 $0xF7A, s1;
	s8 =	simm.s32 @!p0 $0x1BF5;
	p2 =	por !p2, p0  }
0x20: {  	[sflag:s8] =	ssyncset.s32 @!p0 $0xFFFFF086;
	s6 =	sadd.s32 @!p0 s3, s7;
	s7 =	simm.s32 @!p0 $0x108  }
0x21: {  	s3 =	sadd.s32 s3, s9;
	s6 =	sadd.s32 @!p0 $0x88, s6;
	s7 =	simm.s32 @p2 $0x1082  }
0x22: {  	[simem:s7], [sflag:s8] =	dma.local @!p0 [hbm:s6], $0xF7A  }
0x23: {  	s9 =	sor.u32 $0xD0000000, s2;
	s6 =	simm.s32 $0x108;
	_ =	swait.ge @!p0 [sflag:s8], $0x0  }
0x24: {  	s3 =	sadd.s32 $0x88, s3;
	s6 =	simm.s32 @!p1 $0x1082;
	[sflag:s4] =	ssyncset.s32 $0xFFFFF086  }
0x25: {  	[simem:s6], [sflag:s4] =	dma.local [hbm:s3], $0xF7A  }
0x26: {  	[smem:$0x3F9D] =	sst s1;
	(tag) =	ssettag s2;
	_ =	strace s9  }
0x27: {  	s1 =	sld [smem:$0x3FAD]  }
0x28: {  	s2 =	sld [smem:$0x3FAE]  }
0x29: {  	s4 =	sld [smem:$0x3FB0]  }
0x2a: {  	p0 =	seq.s32 s5, $0x0;
	s5 =	sld [smem:$0x3FB1]  }
0x2b: {  	s6 =	sld [smem:$0x3FB2]  }
0x2c: {  	s7 =	sld [smem:$0x3FB3]  }
0x2d: {  	s3 =	simm.s32 $0x108;
	s8 =	sld [smem:$0x3FB4]  }
0x2e: {  	s3 =	simm.s32 @!p0 $0x1082;
	s9 =	sld [smem:$0x3FB5]  }
0x2f: {  	lr =	sadd.s32 s0, s3;
	s0 =	sld [smem:$0x3FAC]  }
0x30: {  	s3 =	sld [smem:$0x3FAF]  }
0x31: {  	[smem:$0x3FB8] =	sst s10  }
0x32: {  	s10 =	sld [smem:$0x3FB6];
	_ =	sdelay $0x3  }
0x33: {  	p0 =	seq.s32 s10, $0x1;
	s10 =	sld [smem:$0x3FB8];
	_ =	sdelay $0x3  }
0x34: {  	[smem:$0x3FB8] =	sst s10  }
0x35: {  	s10 =	sld [smem:$0x3FB7];
	_ =	sdelay $0x3  }
0x36: {  	p1 =	seq.s32 s10, $0x1;
	s10 =	sld [smem:$0x3FB8];
	_ =	sdelay $0x3  }
0x37: {  	[smem:$0x3FB8] =	sst s10  }
0x38: {  	s10 =	sld [smem:$0x3FB9]  }
0x39: {  	_ = 	snop;
	(pc) =	sbr.ind lr, $3  }
0x3a: {  	_ = 	snop  }
0x3b: {  	_ = 	snop  }
0x3c: {  	p2 =	seq.s32 s10, $0x1;
	s10 =	sld [smem:$0x3FB8]  }
0x3d: {  	_ =	shalt  }
0x3e: {  	_ =	shalt  }
0x3f: {  	_ =	shalt  }
0x40: {  	_ =	shalt  }
0x41: {  	_ =	shalt  }
0x42: {  	_ =	shalt  }
0x43: {  	_ =	shalt  }
0x44: {  	_ =	shalt  }
0x45: {  	_ =	shalt  }
0x46: {  	_ =	shalt  }
0x47: {  	_ =	shalt  }
0x48: {  	_ =	shalt  }
0x49: {  	_ =	shalt  }
0x4a: {  	_ =	shalt  }
0x4b: {  	_ =	shalt  }
0x4c: {  	_ =	shalt  }
0x4d: {  	_ =	shalt  }
0x4e: {  	_ =	shalt  }
0x4f: {  	_ =	shalt  }
0x50: {  	_ =	shalt  }
0x51: {  	_ =	shalt  }
0x52: {  	_ =	shalt  }
0x53: {  	_ =	shalt  }
0x54: {  	_ =	shalt  }
0x55: {  	_ =	shalt  }
0x56: {  	_ =	shalt  }
0x57: {  	_ =	shalt  }
0x58: {  	_ =	shalt  }
0x59: {  	_ =	shalt  }
0x5a: {  	_ =	shalt  }
0x5b: {  	_ =	shalt  }
0x5c: {  	_ =	shalt  }
0x5d: {  	_ =	shalt  }
0x5e: {  	_ =	shalt  }
0x5f: {  	_ =	shalt  }
0x60: {  	_ =	shalt  }
0x61: {  	_ =	shalt  }
0x62: {  	_ =	shalt  }
0x63: {  	_ =	shalt  }
0x64: {  	_ =	shalt  }
0x65: {  	_ =	shalt  }
0x66: {  	_ =	shalt  }
0x67: {  	_ =	shalt  }
0x68: {  	_ =	shalt  }
0x69: {  	_ =	shalt  }
0x6a: {  	_ =	shalt  }
0x6b: {  	_ =	shalt  }
0x6c: {  	_ =	shalt  }
0x6d: {  	_ =	shalt  }
0x6e: {  	_ =	shalt  }
0x6f: {  	_ =	shalt  }
0x70: {  	_ =	shalt  }
0x71: {  	_ =	shalt  }
0x72: {  	_ =	shalt  }
0x73: {  	_ =	shalt  }
0x74: {  	_ =	shalt  }
0x75: {  	_ =	shalt  }
0x76: {  	_ =	shalt  }
0x77: {  	_ =	shalt  }
0x78: {  	_ =	shalt  }
0x79: {  	_ =	shalt  }
0x7a: {  	_ =	shalt  }
0x7b: {  	_ =	shalt  }
0x7c: {  	_ =	shalt  }
0x7d: {  	_ =	shalt  }
0x7e: {  	_ =	shalt  }
0x7f: {  	_ =	shalt  }
0x80: {  	_ =	shalt  }
0x81: {  	_ =	shalt  }
0x82: {  	_ =	shalt  }
0x83: {  	_ =	shalt  }
0x84: {  	_ =	shalt  }
0x85: {  	_ =	shalt  }
0x86: {  	_ =	shalt  }
0x87: {  	_ =	shalt  }
.Lfunc_end0:
.L_simem_size_0:
called_computation.1_lowered:
.L_overlay_start_0:
0x88: {  	s2 =	sld [smem:$0x3FD9]  }
0x89: {  	s3 =	sld [smem:$0x3FFE];
	_ =	sdelay $0x1  }
0x8a: {  	s1 =	srdreg.scid  }
0x8b: {  	s0 =	sand.u32 $0x1, s1  }
0x8c: {  	s17 =	sshll.u32 s0, $0xA;
	s2 =	sadd.s32 s3, s2  }
0x8d: {  	s2 =	sadd.s32 s2, s17  }
0x8e: {  	[smem:$0x3FC4] =	sst s2  }
0x8f: {  	_ = 	snop  }
0x90: {  	s2 =	sld [smem:$0x3FD0];
	(tm) =	ssettm $0x1  }
0x91: {  	s18 =	sld [smem:$0x3FFB];
	_ =	sdelay $0x3  }
0x92: {  	_ =	strace s18  }
0x93: {  	s3 =	sld [smem:$0x3FFC];
	_ =	sdelay $0x3  }
0x94: {  	_ =	strace s3  }
0x95: {  	s3 =	sld [smem:$0x3FFD];
	_ =	sdelay $0x3  }
0x96: {  	_ =	strace s3  }
0x97: {  	_ =	strace $0x8FFFFFFF  }
0x98: {  	s19 =	sld [smem:$0x3FDB];
	_ =	sdelay $0x1  }
0x99: {  	s4 =	simm.s32 $_scs_section_size  }
0x9a: {  	s5 =	simm.s32 $_size__tile_overlayer_lowered;
	s6 =	simm.s32 $_tile_overlayer_lowered  }
0x9b: {  	s22 =	simm.s32 $0x1BFF;
	s21 =	sshll.u32 s6, $0x1;
	s3 =	sadd.s32 s4, s19  }
0x9c: {  	s7 =	simm.s32 $0x0;
	s20 =	sshll.u32 s5, $0x1;
	s5 =	sadd.s32 s21, s3  }
0x9d: {  	[timem:s7], [sflag:s22] =	dma.local [hbm:s5], s20  }
0x9e: {  	_ =	swait.ge [sflag:s22], s20  }
0x9f: {  	s4 =	ssub.s32 $0x0, s20;
	[sflag:s22] =	ssyncset.done $0x0  }
0xa0: {  	[sflag:s22] =	ssyncadd.s32 s4;
	_ =	sdelay $0x1  }
0xa1: {  	s23 =	simm.s32 $0x1B8B  }
0xa2: {  	_ =	swait.ge [sflag:s23], $0x1  }
0xa3: {  	[sflag:s23] =	ssyncset.done $0x0  }
0xa4: {  	s25 =	simm.s32 $0x1B8E;
	s24 =	sld [smem:$0x3FFE];
	[sflag:s23] =	ssyncadd.s32 $0xFFFFFFFF  }
0xa5: {  	s26 =	simm.s32 $execute0_lowered;
	[smem:$0x3FD2] =	sst s25  }
0xa6: {  	s5 =	sshll.u32 s26, $0x1;
	_ =	strace $0x80000049;
	[dreg:$0x1] =	wrdreg $0xFFFFFFFF  }
0xa7: {  	s28 =	simm.s32 $_size_execute0_lowered;
	s3 =	sadd.s32 s3, s5;
	[dreg:$0x0] =	wrdreg $0x0  }
0xa8: {  	s5 =	sshll.u32 s28, $0x1;
	[dreg:$0x2] =	wrdreg s3  }
0xa9: {  	[dreg:$0x3] =	wrdreg s5  }
0xaa: {  	[dreg:$0x4] =	wrdreg $0xC0  }
0xab: {  	_ =	task [dreg:s7], $0x5FFFF  }
0xac: {  	[dreg:$0x1] =	wrdreg $0xFFFFFFFF  }
0xad: {  	[dreg:$0x0] =	wrdreg $0x60  }
0xae: {  	[dreg:$0x2] =	wrdreg s2  }
0xaf: {  	[dreg:$0x3] =	wrdreg s24  }
0xb0: {  	[dreg:$0x4] =	wrdreg $0x124000  }
0xb1: {  	[dreg:$0x5] =	wrdreg $0x9  }
0xb2: {  	_ =	task.clear_ibuf [dreg:s7], $0x6FFFF;
	_ =	strace $0x90000049  }
0xb3: {  	s29 =	simm.s32 $0x9;
	_ =	strace $0x8000004B  }
0xb4: {  	_ =	swait.ge [sflag:s29], $0x1  }
0xb5: {  	[sflag:s29] =	ssyncadd.s32 $0xFFFFFFFF  }
0xb6: {  	_ =	strace $0x9000004B  }
0xb7: {  	_ =	sfence  }
0xb8: {  	s30 =	sld [smem:$0x0];
	_ =	sdelay $0x2  }
0xb9: {  	s31 =	sshll.u32 s1, $0xD;
	s1 =	sshrl.u32 s1, $0x2  }
0xba: {  	s3 =	sand.u32 $0x4000, s31;
	s1 =	sadd.s32 s1, s30  }
0xbb: {  	s0 =	sor.u32 s3, s0;
	s1 =	sshll.u32 s1, $0x11  }
0xbc: {  	s0 =	sor.u32 s1, s0  }
0xbd: {  	s0 =	sadd.s32 $0x8F2B, s0  }
0xbe: {  	[sflag:s0] =	ssyncadd.remote.s32 $0x1  }
0xbf: {  	_ =	sfence.sel $0xFFFF  }
0xc0: {  	[dreg:$0x0] =	wrdreg $0xFFFFFFFF;
	(pc) =	sbr.abs _section_cstart, $3  }
0xc1: {  	[dreg:$0x1] =	wrdreg $0xFFFFFFFF  }
0xc2: {  	_ =	task.clear_ibuf [dreg:s7], $0x2FFFF;
	_ =	strace $0x9FFFFFFF  }
0xc3: {  	(tm) =	ssettm $0x7FFFFFFF  }
tec
execute0_lowered:
.L_overlay_start_1:
0x0: {  	(tag) =	ssettag $0x1  }
0x1: {  	s0 =	rddreg [dreg:$0x0]  }
0x2: {  	s1 =	rddreg [dreg:$0x1]  }
0x3: {  	s2 =	rddreg [dreg:$0x2]  }
0x4: {  	s10 =	stileid.u32;
	s5 =	srdreg.scid  }
0x5: {  	s3 =	simm.s32 $0x0;
	s14 =	simm.s32 $0x80;
	s15 =	simm.s32 $0xA400  }
0x6: {  	s16 =	simm.s32 $0xC400;
	s18 =	simm.s32 $0xE400;
	s19 =	simm.s32 $0x1  }
0x7: {  	s21 =	simm.s32 $0x10400;
	s22 =	simm.s32 $0x2;
	s24 =	simm.s32 $0x5  }
0x8: {  	s29 =	simm.s32 $0x6;
	s31 =	simm.s32 $0x4;
	s17 =	simm.s32 $0x8  }
0x9: {  	s20 =	simm.s32 $0x10;
	s23 =	simm.s32 $0x0;
	s4 =	smul.u32 $0xA40, s10  }
0xa: {  	s5 =	sand.u32 $0x1, s5;
	s6 =	smul.u32 $0x14000, s10;
	[smem:$0x7FF] =	sst s3  }
0xb: {  	s9 =	smul.u32 $0x28000, s10;
	s10 =	sshll.u32 s10, $0x6;
	s7 =	sshll.u32 s5, $0x6  }
0xc: {  	_ =	strace $0x8000004A;
	s28 =	ssub.s32 $0x2, s5;
	s11 =	smul.u32 $0x13880, s5  }
0xd: {  	s5 =	sor.u32 $0x1C09, s10;
	s8 =	sadd.s32 s4, s1;
	s26 =	sor.u32 s7, s6  }
0xe: {  	s4 =	sadd.s32 $0x1000, s1;
	s30 =	sshrl.u32 s28, $0x1;
	s9 =	sshrl.u32 s9, $0x2  }
0xf: {  	s6 =	sshrl.u32 s26, $0x3;
	s12 =	ssub.s32 s28, s30;
	s13 =	sadd.s32 s9, s2  }
0x10: {  	s7 =	sadd.s32 $0xAE00, s8;
	s26 =	simm.s32 $0x3;
	s1 =	sadd.s32 s6, s1  }
0x11: {  	s6 =	sadd.s32 $0x15200, s8;
	s8 =	sadd.s32 s0, s11;
	s10 =	smax.u32 s12, $0x1  }
0x12: {  	s11 =	sshrl.u32 s13, $0x3;
	s12 =	simm.s32 $0x9;
	s13 =	simm.s32 $0x5200  }
0x13: {  	s0 =	simm.s32 $0xA380;
	s9 =	sadd.s32 $0x1F600, s1;
	s1 =	simm.s32 $0x7  }
.LBB2_1:
0x14: {  	[spmem:s11], [sflag:s5] =	dma.local [hbm:s4], $0x1400  }
0x15: {  	_ =	swait.ge [sflag:s12], $0x1400  }
0x16: {  	[sflag:s12] =	ssyncset.done $0x0  }
0x17: {  	[sflag:s12] =	ssyncadd.s32 $0xFFFFEC00  }
0x18: {  	[bflag:$0x0] =	sbarrier.arrive $0xFFFF  }
0x19: {  	[tilespmem:s3], [sflag:$0x9] =	stream.linear.gather [hbm4b:s6+s3], $0x5200, $0x38;
	[tilespmem:$0x1C400] =	vst v63  }
0x1a: {  	_ =	swait.ge [sflag:s12], $0x5200  }
0x1b: {  	[sflag:s12] =	ssyncset.done $0x0  }
0x1c: {  	[sflag:s12] =	ssyncadd.s32 $0xFFFFAE00  }
0x1d: {  	[tilespmem:s13], [sflag:$0x9] =	stream.linear.gather [hbm4b:s7+s3], $0x5200, $0x38;
	[tilespmem:$0x1C400] =	vst v63  }
0x1e: {  	_ =	swait.ge [sflag:s12], $0x5200  }
0x1f: {  	[sflag:s12] =	ssyncset.done $0x0  }
0x20: {  	[sflag:s12] =	ssyncadd.s32 $0xFFFFAE00  }
0x21: {  	[tilespmem:s15], [sflag:$0x1] =	stream.indirect.gather [hbm4b:s8+s14], $0x40, s3, s14, $0xb8;
	[tilespmem:$0x1C400] =	vst v63  }
0x22: {  	_ = 	snop  }
0x23: {  	[tilespmem:s16], [sflag:$0x2] =	stream.indirect.gather [hbm4b:s8+s14], $0x40, s14, s14, $0xb8;
	[tilespmem:$0x1C400] =	vst v63  }
0x24: {  	s25 =	simm.s32 $0x100  }
0x25: {  	[tilespmem:s18], [sflag:$0x3] =	stream.indirect.gather [hbm4b:s8+s14], $0x40, s25, s14, $0xb8;
	[tilespmem:$0x1C400] =	vst v63  }
0x26: {  	_ =	swait.ge [sflag:s19], $0x2000  }
0x27: {  	[sflag:s19] =	ssyncset.done $0x0  }
0x28: {  	[sflag:s19] =	ssyncadd.s32 $0xFFFFE000  }
0x29: {  	[spmem:s2] =	stream.indirect.scatter.add.f32 [tilespmem:s15], [sflag:$0x5], $0x40, s13, s14, $0xb8;
	[tilespmem:$0x1C400] =	vst v63  }
0x2a: {  	s30 =	simm.s32 $0x180  }
0x2b: {  	[tilespmem:s21], [sflag:$0x4] =	stream.indirect.gather [hbm4b:s8+s14], $0x40, s30, s14, $0xb8;
	[tilespmem:$0x1C400] =	vst v63  }
0x2c: {  	_ =	swait.ge [sflag:s22], $0x2000  }
0x2d: {  	[sflag:s22] =	ssyncset.done $0x0  }
0x2e: {  	s30 =	simm.s32 $0x5280;
	[sflag:s22] =	ssyncadd.s32 $0xFFFFE000  }
0x2f: {  	[spmem:s2] =	stream.indirect.scatter.add.f32 [tilespmem:s16], [sflag:$0x6], $0x40, s30, s14, $0xb8;
	[tilespmem:$0x1C400] =	vst v63  }
0x30: {  	_ =	swait.ge [sflag:s24], $0x2000  }
0x31: {  	[sflag:s24] =	ssyncset.done $0x0  }
0x32: {  	s30 =	simm.s32 $0x200;
	[sflag:s24] =	ssyncadd.s32 $0xFFFFE000  }
0x33: {  	[tilespmem:s15], [sflag:$0x1] =	stream.indirect.gather [hbm4b:s8+s14], $0x40, s30, s14, $0xb8;
	[tilespmem:$0x1C400] =	vst v63  }
0x34: {  	_ =	swait.ge [sflag:s26], $0x2000  }
0x35: {  	[sflag:s26] =	ssyncset.done $0x0  }
0x36: {  	s30 =	simm.s32 $0x5300;
	[sflag:s26] =	ssyncadd.s32 $0xFFFFE000  }
0x37: {  	[spmem:s2] =	stream.indirect.scatter.add.f32 [tilespmem:s18], [sflag:$0x7], $0x40, s30, s14, $0xb8;
	[tilespmem:$0x1C400] =	vst v63  }
0x38: {  	_ =	swait.ge [sflag:s29], $0x2000  }
0x39: {  	[sflag:s29] =	ssyncset.done $0x0  }
0x3a: {  	s30 =	simm.s32 $0x280;
	[sflag:s29] =	ssyncadd.s32 $0xFFFFE000  }
0x3b: {  	[tilespmem:s16], [sflag:$0x2] =	stream.indirect.gather [hbm4b:s8+s14], $0x40, s30, s14, $0xb8;
	[tilespmem:$0x1C400] =	vst v63  }
0x3c: {  	_ =	swait.ge [sflag:s31], $0x2000  }
0x3d: {  	[sflag:s31] =	ssyncset.done $0x0  }
0x3e: {  	s30 =	simm.s32 $0x5380;
	[sflag:s31] =	ssyncadd.s32 $0xFFFFE000  }
0x3f: {  	[spmem:s2] =	stream.indirect.scatter.add.f32 [tilespmem:s21], [sflag:$0x8], $0x40, s30, s14, $0xb8;
	[tilespmem:$0x1C400] =	vst v63  }
0x40: {  	_ =	swait.ge [sflag:s1], $0x2000  }
0x41: {  	[sflag:s1] =	ssyncset.done $0x0  }
0x42: {  	s30 =	simm.s32 $0x300;
	[sflag:s1] =	ssyncadd.s32 $0xFFFFE000  }
0x43: {  	[tilespmem:s18], [sflag:$0x3] =	stream.indirect.gather [hbm4b:s8+s14], $0x40, s30, s14, $0xb8;
	[tilespmem:$0x1C400] =	vst v63  }
0x44: {  	_ =	swait.ge [sflag:s19], $0x2000  }
0x45: {  	[sflag:s19] =	ssyncset.done $0x0  }
0x46: {  	s30 =	simm.s32 $0x5400;
	[sflag:s19] =	ssyncadd.s32 $0xFFFFE000  }
0x47: {  	[spmem:s2] =	stream.indirect.scatter.add.f32 [tilespmem:s15], [sflag:$0x5], $0x40, s30, s14, $0xb8;
	[tilespmem:$0x1C400] =	vst v63  }
0x48: {  	_ =	swait.ge [sflag:s17], $0x2000  }
0x49: {  	[sflag:s17] =	ssyncset.done $0x0  }
0x4a: {  	s30 =	simm.s32 $0x380;
	[sflag:s17] =	ssyncadd.s32 $0xFFFFE000  }
0x4b: {  	[tilespmem:s21], [sflag:$0x4] =	stream.indirect.gather [hbm4b:s8+s14], $0x40, s30, s14, $0xb8;
	[tilespmem:$0x1C400] =	vst v63  }
0x4c: {  	_ =	swait.ge [sflag:s22], $0x2000  }
0x4d: {  	[sflag:s22] =	ssyncset.done $0x0  }
0x4e: {  	s30 =	simm.s32 $0x5480;
	[sflag:s22] =	ssyncadd.s32 $0xFFFFE000  }
0x4f: {  	[spmem:s2] =	stream.indirect.scatter.add.f32 [tilespmem:s16], [sflag:$0x6], $0x40, s30, s14, $0xb8;
	[tilespmem:$0x1C400] =	vst v63  }
0x50: {  	_ =	swait.ge [sflag:s24], $0x2000  }
0x51: {  	[sflag:s24] =	ssyncset.done $0x0  }
0x52: {  	s30 =	simm.s32 $0x400;
	[sflag:s24] =	ssyncadd.s32 $0xFFFFE000  }
0x53: {  	[tilespmem:s15], [sflag:$0x1] =	stream.indirect.gather [hbm4b:s8+s14], $0x40, s30, s14, $0xb8;
	[tilespmem:$0x1C400] =	vst v63  }
0x54: {  	_ =	swait.ge [sflag:s26], $0x2000  }
0x55: {  	[sflag:s26] =	ssyncset.done $0x0  }
0x56: {  	s30 =	simm.s32 $0x5500;
	[sflag:s26] =	ssyncadd.s32 $0xFFFFE000  }
0x57: {  	[spmem:s2] =	stream.indirect.scatter.add.f32 [tilespmem:s18], [sflag:$0x7], $0x40, s30, s14, $0xb8;
	[tilespmem:$0x1C400] =	vst v63  }
0x58: {  	_ =	swait.ge [sflag:s29], $0x2000  }
0x59: {  	[sflag:s29] =	ssyncset.done $0x0  }
0x5a: {  	s30 =	simm.s32 $0x480;
	[sflag:s29] =	ssyncadd.s32 $0xFFFFE000  }
0x5b: {  	[tilespmem:s16], [sflag:$0x2] =	stream.indirect.gather [hbm4b:s8+s14], $0x40, s30, s14, $0xb8;
	[tilespmem:$0x1C400] =	vst v63  }
0x5c: {  	_ =	swait.ge [sflag:s31], $0x2000  }
0x5d: {  	[sflag:s31] =	ssyncset.done $0x0  }
0x5e: {  	s28 =	simm.s32 $0x5580;
	s25 =	simm.s32 $0x800;
	[sflag:s31] =	ssyncadd.s32 $0xFFFFE000  }
.LBB2_2:
0x5f: {  	[spmem:s2] =	stream.indirect.scatter.add.f32 [tilespmem:s21], [sflag:$0x8], $0x40, s28, s14, $0xb8;
	[tilespmem:$0x1C400] =	vst v63  }
0x60: {  	s28 =	smov.u32 s25  }
0x61: {  	p0 =	sne.s32 s25, $0x13000;
	s25 =	sadd.s32 $0x800, s25;
	_ =	swait.ge [sflag:s1], $0x2000  }
0x62: {  	s28 =	sshra.s32 s28, $0x2;
	[sflag:s1] =	ssyncset.done $0x0  }
0x63: {  	s30 =	sadd.s32 $0x300, s28;
	[sflag:s1] =	ssyncadd.s32 $0xFFFFE000  }
0x64: {  	[tilespmem:s18], [sflag:$0x3] =	stream.indirect.gather [hbm4b:s8+s14], $0x40, s30, s14, $0xb8;
	[tilespmem:$0x1C400] =	vst v63  }
0x65: {  	_ =	swait.ge [sflag:s19], $0x2000  }
0x66: {  	[sflag:s19] =	ssyncset.done $0x0  }
0x67: {  	s30 =	sadd.s32 $0x5400, s28;
	[sflag:s19] =	ssyncadd.s32 $0xFFFFE000  }
0x68: {  	[spmem:s2] =	stream.indirect.scatter.add.f32 [tilespmem:s15], [sflag:$0x5], $0x40, s30, s14, $0xb8;
	[tilespmem:$0x1C400] =	vst v63  }
0x69: {  	_ =	swait.ge [sflag:s17], $0x2000  }
0x6a: {  	[sflag:s17] =	ssyncset.done $0x0  }
0x6b: {  	s30 =	sadd.s32 $0x380, s28;
	[sflag:s17] =	ssyncadd.s32 $0xFFFFE000  }
0x6c: {  	[tilespmem:s21], [sflag:$0x4] =	stream.indirect.gather [hbm4b:s8+s14], $0x40, s30, s14, $0xb8;
	[tilespmem:$0x1C400] =	vst v63  }
0x6d: {  	_ =	swait.ge [sflag:s22], $0x2000  }
0x6e: {  	[sflag:s22] =	ssyncset.done $0x0  }
0x6f: {  	s30 =	sadd.s32 $0x5480, s28;
	[sflag:s22] =	ssyncadd.s32 $0xFFFFE000  }
0x70: {  	[spmem:s2] =	stream.indirect.scatter.add.f32 [tilespmem:s16], [sflag:$0x6], $0x40, s30, s14, $0xb8;
	[tilespmem:$0x1C400] =	vst v63  }
0x71: {  	_ =	swait.ge [sflag:s24], $0x2000  }
0x72: {  	[sflag:s24] =	ssyncset.done $0x0  }
0x73: {  	s30 =	sadd.s32 $0x400, s28;
	[sflag:s24] =	ssyncadd.s32 $0xFFFFE000  }
0x74: {  	[tilespmem:s15], [sflag:$0x1] =	stream.indirect.gather [hbm4b:s8+s14], $0x40, s30, s14, $0xb8;
	[tilespmem:$0x1C400] =	vst v63  }
0x75: {  	_ =	swait.ge [sflag:s26], $0x2000  }
0x76: {  	[sflag:s26] =	ssyncset.done $0x0  }
0x77: {  	s30 =	sadd.s32 $0x5500, s28;
	[sflag:s26] =	ssyncadd.s32 $0xFFFFE000  }
0x78: {  	[spmem:s2] =	stream.indirect.scatter.add.f32 [tilespmem:s18], [sflag:$0x7], $0x40, s30, s14, $0xb8;
	[tilespmem:$0x1C400] =	vst v63  }
0x79: {  	_ =	swait.ge [sflag:s29], $0x2000  }
0x7a: {  	[sflag:s29] =	ssyncset.done $0x0  }
.Ltmp0:
0x7b: {  	s30 =	sadd.s32 $0x480, s28;
	[sflag:s29] =	ssyncadd.s32 $0xFFFFE000;
	(pc) =	sbr.rel @p0 .LBB2_2-.Ltmp0, $4  }
0x7c: {  	[tilespmem:s16], [sflag:$0x2] =	stream.indirect.gather [hbm4b:s8+s14], $0x40, s30, s14, $0xb8;
	[tilespmem:$0x1C400] =	vst v63  }
0x7d: {  	_ =	swait.ge [sflag:s31], $0x2000  }
0x7e: {  	[sflag:s31] =	ssyncset.done $0x0  }
0x7f: {  	s28 =	sadd.s32 $0x5580, s28;
	[sflag:s31] =	ssyncadd.s32 $0xFFFFE000  }
0x80: {  	[spmem:s2] =	stream.indirect.scatter.add.f32 [tilespmem:s21], [sflag:$0x8], $0x40, s28, s14, $0xb8;
	[tilespmem:$0x1C400] =	vst v63  }
0x81: {  	_ =	swait.ge [sflag:s1], $0x2000  }
0x82: {  	[sflag:s1] =	ssyncset.done $0x0  }
0x83: {  	s25 =	simm.s32 $0x5100;
	[sflag:s1] =	ssyncadd.s32 $0xFFFFE000  }
0x84: {  	[tilespmem:s18], [sflag:$0x3] =	stream.indirect.gather [hbm4b:s8+s14], $0x40, s25, s14, $0xb8;
	[tilespmem:$0x1C400] =	vst v63  }
0x85: {  	_ =	swait.ge [sflag:s19], $0x2000  }
0x86: {  	[sflag:s19] =	ssyncset.done $0x0  }
0x87: {  	s28 =	simm.s32 $0xA200;
	[sflag:s19] =	ssyncadd.s32 $0xFFFFE000  }
0x88: {  	[spmem:s2] =	stream.indirect.scatter.add.f32 [tilespmem:s15], [sflag:$0x5], $0x40, s28, s14, $0xb8;
	[tilespmem:$0x1C400] =	vst v63  }
0x89: {  	_ =	swait.ge [sflag:s17], $0x2000  }
0x8a: {  	[sflag:s17] =	ssyncset.done $0x0  }
0x8b: {  	s30 =	simm.s32 $0x5180;
	[sflag:s17] =	ssyncadd.s32 $0xFFFFE000  }
0x8c: {  	[tilespmem:s21], [sflag:$0x4] =	stream.indirect.gather [hbm4b:s8+s14], $0x40, s30, s14, $0xb8;
	[tilespmem:$0x1C400] =	vst v63  }
0x8d: {  	_ =	swait.ge [sflag:s22], $0x2000  }
0x8e: {  	[sflag:s22] =	ssyncset.done $0x0  }
0x8f: {  	s28 =	simm.s32 $0xA280;
	[sflag:s22] =	ssyncadd.s32 $0xFFFFE000  }
0x90: {  	[spmem:s2] =	stream.indirect.scatter.add.f32 [tilespmem:s16], [sflag:$0x6], $0x40, s28, s14, $0xb8;
	[tilespmem:$0x1C400] =	vst v63  }
0x91: {  	_ =	swait.ge [sflag:s24], $0x2000  }
0x92: {  	[sflag:s24] =	ssyncset.done $0x0  }
0x93: {  	[sflag:s24] =	ssyncadd.s32 $0xFFFFE000  }
0x94: {  	_ =	swait.ge [sflag:s26], $0x2000  }
0x95: {  	[sflag:s26] =	ssyncset.done $0x0  }
0x96: {  	s30 =	simm.s32 $0xA300;
	[sflag:s26] =	ssyncadd.s32 $0xFFFFE000  }
0x97: {  	[spmem:s2] =	stream.indirect.scatter.add.f32 [tilespmem:s18], [sflag:$0x7], $0x40, s30, s14, $0xb8;
	[tilespmem:$0x1C400] =	vst v63  }
0x98: {  	_ =	swait.ge [sflag:s29], $0x2000  }
0x99: {  	[sflag:s29] =	ssyncset.done $0x0  }
0x9a: {  	[sflag:s29] =	ssyncadd.s32 $0xFFFFE000  }
0x9b: {  	_ =	swait.ge [sflag:s31], $0x2000  }
0x9c: {  	[sflag:s31] =	ssyncset.done $0x0  }
0x9d: {  	[sflag:s31] =	ssyncadd.s32 $0xFFFFE000  }
0x9e: {  	[spmem:s2] =	stream.indirect.scatter.add.f32 [tilespmem:s21], [sflag:$0x8], $0x40, s0, s14, $0xb8;
	[tilespmem:$0x1C400] =	vst v63  }
0x9f: {  	_ =	swait.ge [sflag:s1], $0x2000  }
0xa0: {  	[sflag:s1] =	ssyncset.done $0x0  }
0xa1: {  	[sflag:s1] =	ssyncadd.s32 $0xFFFFE000  }
0xa2: {  	_ =	swait.ge [sflag:s17], $0x2000  }
0xa3: {  	s23 =	sadd.s32 $0x1, s23;
	[sflag:s17] =	ssyncset.done $0x0  }
0xa4: {  	p0 =	sne.s32 s23, s10;
	[sflag:s17] =	ssyncadd.s32 $0xFFFFE000  }
.Ltmp1:
0xa5: {  	[bflag:$0x0] =	sbarrier.arrive $0xFFFF;
	(pc) =	sbr.rel @p0 .LBB2_1-.Ltmp1, $4  }
0xa6: {  	[hbm:s9@s20], [sflag:s5] =	dma.strided [spmem:s11@s17], $0x1400, s19, $0x8   }
0xa7: {  	_ =	swait.ge [sflag:s12], $0x1400  }
0xa8: {  	[sflag:s12] =	ssyncset.done $0x0  }
0xa9: {  	[sflag:s12] =	ssyncadd.s32 $0xFFFFEC00  }
0xaa: {  	_ =	sfence.sel $0x180000  }
0xab: {  	[bflag:$0x0] =	sbarrier.arrive $0xFFFF  }
0xac: {  	_ =	strace $0x9000004A  }
0xad: {  	s0 =	stileid.u32;
	[bflag:$0x2] =	sbarrier.arrive $0xFFFF  }
0xae: {  	p0 =	sne.s32 s0, $0x0;
	s0 =	rddreg [dreg:$0x3]  }
0xaf: {  	s0 =	sadd.s32 @!p0 $0x100000, s0  }
0xb0: {  	[sflag:s0] =	ssyncadd.tile.s32 @!p0 $0x1;
	_ =	shalt  }
.Lfunc_end2:
_tile_overlayer_lowered:
.L_overlay_start_2:
0xb1: {  	(tag) =	ssettag $0x2  }
0xb2: {  	s0 =	rddreg [dreg:$0x0];
	s2 =	stileid.u32  }
0xb3: {  	s1 =	rddreg [dreg:$0x1];
	p0 =	sne.s32 s2, $0x0  }
0xb4: {  	s3 =	rddreg [dreg:$0x2];
	[bflag:$0x3] =	sbarrier.arrive $0xFFFF;
	s2 =	simm.s32 @!p0 $0x1C09  }
0xb5: {  	[timem:s3], [sflag:s2] =	dma.local @!p0 [hbm:s0], s1  }
0xb6: {  	s0 =	simm.s32 @!p0 $0x9  }
0xb7: {  	_ =	swait.ge @!p0 [sflag:s0], s1  }
0xb8: {  	s1 =	ssub.s32 @!p0 $0x0, s1;
	[sflag:s0] =	ssyncset.done @!p0 $0x0  }
0xb9: {  	[sflag:s0] =	ssyncadd.s32 @!p0 s1  }
0xba: {  	[bflag:$0x3] =	sbarrier.arrive $0xFFFF  }
0xbb: {  	_ =	shalt  }

// kernel: kernel.7.cloned.1.call-start
scs
__scs_entry_jumppad:
0x0: {  	(pc) =	sbr.rel $0x88, $3  }
0x1: {  	(tag) =	ssettag $0x0;
	lr =	simm.s32 $0x1  }
0x2: {  	[smem:$0x3F9D] =	sst lr;
	_ =	strace $0xD0000000  }
0x3: {  	_ = 	snop  }
0x4: {  	_ = 	snop  }
0x5: {  	_ = 	snop  }
0x6: {  	_ = 	snop  }
0x7: {  	_ = 	snop  }
__scs_overlays_trampoline_lowered:
0x8: {  	[smem:$0x3FAC] =	sst s0  }
0x9: {  	[smem:$0x3FAD] =	sst s1  }
0xa: {  	[smem:$0x3FAE] =	sst s2  }
0xb: {  	[smem:$0x3FAF] =	sst s3  }
0xc: {  	[smem:$0x3FB0] =	sst s4  }
0xd: {  	[smem:$0x3FB1] =	sst s5  }
0xe: {  	[smem:$0x3FB2] =	sst s6  }
0xf: {  	[smem:$0x3FB3] =	sst s7  }
0x10: {  	[smem:$0x3FB4] =	sst s8  }
0x11: {  	[smem:$0x3FB5] =	sst s9;
	s0 =	simm.s32 @!p0 $0x0  }
0x12: {  	s1 =	sld [smem:$0x3F9B];
	s0 =	simm.s32 @p0 $0x1  }
0x13: {  	[smem:$0x3FB6] =	sst s0;
	s0 =	simm.s32 @!p1 $0x0  }
0x14: {  	s2 =	sld [smem:$0x3F9A];
	s0 =	simm.s32 @p1 $0x1  }
0x15: {  	[smem:$0x3FB7] =	sst s0;
	s0 =	simm.s32 @!p2 $0x0  }
0x16: {  	s3 =	sld [smem:$0x3FDB];
	s0 =	simm.s32 @p2 $0x1  }
0x17: {  	s4 =	simm.s32 $0x1BF5;
	[smem:$0x3FB9] =	sst s0  }
0x18: {  	s0 =	sld [smem:$0x3F9C];
	_ =	swait.ge [sflag:s4], $0x0  }
0x19: {  	s7 =	sld [smem:$0x3F9D]  }
0x1a: {  	s8 =	sadd.s32 $0xFFFFE003, lr  }
0x1b: {  	s9 =	sadd.s32 $0xFFFFFEF7, lr;
	s5 =	simm.s32 $0xFFFFFFFF;
	p2 =	slt.u32 s8, $0xFFFFF086  }
0x1c: {  	p1 =	slt.u32 s9, $0xF7A;
	s5 =	simm.s32 @!p2 $0x0  }
0x1d: {  	s5 =	simm.s32 @p1 $0x1;
	p0 =	seq.s32 s7, s2  }
0x1e: {  	s7 =	smul.u32 @!p0 $0xF7A, s2;
	p2 =	seq.s32 @!p0 s5, $0x0  }
0x1f: {  	s9 =	smul.u32 $0xF7A, s1;
	s8 =	simm.s32 @!p0 $0x1BF5;
	p2 =	por !p2, p0  }
0x20: {  	[sflag:s8] =	ssyncset.s32 @!p0 $0xFFFFF086;
	s6 =	sadd.s32 @!p0 s3, s7;
	s7 =	simm.s32 @!p0 $0x108  }
0x21: {  	s3 =	sadd.s32 s3, s9;
	s6 =	sadd.s32 @!p0 $0x88, s6;
	s7 =	simm.s32 @p2 $0x1082  }
0x22: {  	[simem:s7], [sflag:s8] =	dma.local @!p0 [hbm:s6], $0xF7A  }
0x23: {  	s9 =	sor.u32 $0xD0000000, s2;
	s6 =	simm.s32 $0x108;
	_ =	swait.ge @!p0 [sflag:s8], $0x0  }
0x24: {  	s3 =	sadd.s32 $0x88, s3;
	s6 =	simm.s32 @!p1 $0x1082;
	[sflag:s4] =	ssyncset.s32 $0xFFFFF086  }
0x25: {  	[simem:s6], [sflag:s4] =	dma.local [hbm:s3], $0xF7A  }
0x26: {  	[smem:$0x3F9D] =	sst s1;
	(tag) =	ssettag s2;
	_ =	strace s9  }
0x27: {  	s1 =	sld [smem:$0x3FAD]  }
0x28: {  	s2 =	sld [smem:$0x3FAE]  }
0x29: {  	s4 =	sld [smem:$0x3FB0]  }
0x2a: {  	p0 =	seq.s32 s5, $0x0;
	s5 =	sld [smem:$0x3FB1]  }
0x2b: {  	s6 =	sld [smem:$0x3FB2]  }
0x2c: {  	s7 =	sld [smem:$0x3FB3]  }
0x2d: {  	s3 =	simm.s32 $0x108;
	s8 =	sld [smem:$0x3FB4]  }
0x2e: {  	s3 =	simm.s32 @!p0 $0x1082;
	s9 =	sld [smem:$0x3FB5]  }
0x2f: {  	lr =	sadd.s32 s0, s3;
	s0 =	sld [smem:$0x3FAC]  }
0x30: {  	s3 =	sld [smem:$0x3FAF]  }
0x31: {  	[smem:$0x3FB8] =	sst s10  }
0x32: {  	s10 =	sld [smem:$0x3FB6];
	_ =	sdelay $0x3  }
0x33: {  	p0 =	seq.s32 s10, $0x1;
	s10 =	sld [smem:$0x3FB8];
	_ =	sdelay $0x3  }
0x34: {  	[smem:$0x3FB8] =	sst s10  }
0x35: {  	s10 =	sld [smem:$0x3FB7];
	_ =	sdelay $0x3  }
0x36: {  	p1 =	seq.s32 s10, $0x1;
	s10 =	sld [smem:$0x3FB8];
	_ =	sdelay $0x3  }
0x37: {  	[smem:$0x3FB8] =	sst s10  }
0x38: {  	s10 =	sld [smem:$0x3FB9]  }
0x39: {  	_ = 	snop;
	(pc) =	sbr.ind lr, $3  }
0x3a: {  	_ = 	snop  }
0x3b: {  	_ = 	snop  }
0x3c: {  	p2 =	seq.s32 s10, $0x1;
	s10 =	sld [smem:$0x3FB8]  }
0x3d: {  	_ =	shalt  }
0x3e: {  	_ =	shalt  }
0x3f: {  	_ =	shalt  }
0x40: {  	_ =	shalt  }
0x41: {  	_ =	shalt  }
0x42: {  	_ =	shalt  }
0x43: {  	_ =	shalt  }
0x44: {  	_ =	shalt  }
0x45: {  	_ =	shalt  }
0x46: {  	_ =	shalt  }
0x47: {  	_ =	shalt  }
0x48: {  	_ =	shalt  }
0x49: {  	_ =	shalt  }
0x4a: {  	_ =	shalt  }
0x4b: {  	_ =	shalt  }
0x4c: {  	_ =	shalt  }
0x4d: {  	_ =	shalt  }
0x4e: {  	_ =	shalt  }
0x4f: {  	_ =	shalt  }
0x50: {  	_ =	shalt  }
0x51: {  	_ =	shalt  }
0x52: {  	_ =	shalt  }
0x53: {  	_ =	shalt  }
0x54: {  	_ =	shalt  }
0x55: {  	_ =	shalt  }
0x56: {  	_ =	shalt  }
0x57: {  	_ =	shalt  }
0x58: {  	_ =	shalt  }
0x59: {  	_ =	shalt  }
0x5a: {  	_ =	shalt  }
0x5b: {  	_ =	shalt  }
0x5c: {  	_ =	shalt  }
0x5d: {  	_ =	shalt  }
0x5e: {  	_ =	shalt  }
0x5f: {  	_ =	shalt  }
0x60: {  	_ =	shalt  }
0x61: {  	_ =	shalt  }
0x62: {  	_ =	shalt  }
0x63: {  	_ =	shalt  }
0x64: {  	_ =	shalt  }
0x65: {  	_ =	shalt  }
0x66: {  	_ =	shalt  }
0x67: {  	_ =	shalt  }
0x68: {  	_ =	shalt  }
0x69: {  	_ =	shalt  }
0x6a: {  	_ =	shalt  }
0x6b: {  	_ =	shalt  }
0x6c: {  	_ =	shalt  }
0x6d: {  	_ =	shalt  }
0x6e: {  	_ =	shalt  }
0x6f: {  	_ =	shalt  }
0x70: {  	_ =	shalt  }
0x71: {  	_ =	shalt  }
0x72: {  	_ =	shalt  }
0x73: {  	_ =	shalt  }
0x74: {  	_ =	shalt  }
0x75: {  	_ =	shalt  }
0x76: {  	_ =	shalt  }
0x77: {  	_ =	shalt  }
0x78: {  	_ =	shalt  }
0x79: {  	_ =	shalt  }
0x7a: {  	_ =	shalt  }
0x7b: {  	_ =	shalt  }
0x7c: {  	_ =	shalt  }
0x7d: {  	_ =	shalt  }
0x7e: {  	_ =	shalt  }
0x7f: {  	_ =	shalt  }
0x80: {  	_ =	shalt  }
0x81: {  	_ =	shalt  }
0x82: {  	_ =	shalt  }
0x83: {  	_ =	shalt  }
0x84: {  	_ =	shalt  }
0x85: {  	_ =	shalt  }
0x86: {  	_ =	shalt  }
0x87: {  	_ =	shalt  }
.Lfunc_end0:
.L_simem_size_0:
called_computation_lowered:
.L_overlay_start_0:
0x88: {  	s2 =	sld [smem:$0x3FD9]  }
0x89: {  	s3 =	sld [smem:$0x3FFE];
	_ =	sdelay $0x1  }
0x8a: {  	s1 =	srdreg.scid  }
0x8b: {  	s0 =	sand.u32 $0x1, s1  }
0x8c: {  	s17 =	sshll.u32 s0, $0xA;
	s2 =	sadd.s32 s3, s2  }
0x8d: {  	s2 =	sadd.s32 s2, s17  }
0x8e: {  	[smem:$0x3FC4] =	sst s2  }
0x8f: {  	_ = 	snop  }
0x90: {  	s2 =	sld [smem:$0x3FD0];
	(tm) =	ssettm $0x1  }
0x91: {  	s18 =	sld [smem:$0x3FFB];
	_ =	sdelay $0x3  }
0x92: {  	_ =	strace s18  }
0x93: {  	s3 =	sld [smem:$0x3FFC];
	_ =	sdelay $0x3  }
0x94: {  	_ =	strace s3  }
0x95: {  	s3 =	sld [smem:$0x3FFD];
	_ =	sdelay $0x3  }
0x96: {  	_ =	strace s3  }
0x97: {  	_ =	strace $0x8FFFFFFF  }
0x98: {  	s19 =	sld [smem:$0x3FDB];
	_ =	sdelay $0x1  }
0x99: {  	s4 =	simm.s32 $_scs_section_size  }
0x9a: {  	s5 =	simm.s32 $_size__tile_overlayer_lowered;
	s6 =	simm.s32 $_tile_overlayer_lowered  }
0x9b: {  	s22 =	simm.s32 $0x1BFF;
	s21 =	sshll.u32 s6, $0x1;
	s3 =	sadd.s32 s4, s19  }
0x9c: {  	s7 =	simm.s32 $0x0;
	s20 =	sshll.u32 s5, $0x1;
	s5 =	sadd.s32 s21, s3  }
0x9d: {  	[timem:s7], [sflag:s22] =	dma.local [hbm:s5], s20  }
0x9e: {  	_ =	swait.ge [sflag:s22], s20  }
0x9f: {  	s4 =	ssub.s32 $0x0, s20;
	[sflag:s22] =	ssyncset.done $0x0  }
0xa0: {  	[sflag:s22] =	ssyncadd.s32 s4;
	_ =	sdelay $0x1  }
0xa1: {  	s23 =	simm.s32 $0x1B8B  }
0xa2: {  	_ =	swait.ge [sflag:s23], $0x1  }
0xa3: {  	[sflag:s23] =	ssyncset.done $0x0  }
0xa4: {  	s25 =	simm.s32 $0x1B8E;
	s24 =	sld [smem:$0x3FFE];
	[sflag:s23] =	ssyncadd.s32 $0xFFFFFFFF  }
0xa5: {  	s26 =	simm.s32 $execute0_lowered;
	[smem:$0x3FD2] =	sst s25  }
0xa6: {  	s5 =	sshll.u32 s26, $0x1;
	_ =	strace $0x80000046;
	[dreg:$0x1] =	wrdreg $0xFFFFFFFF  }
0xa7: {  	s28 =	simm.s32 $_size_execute0_lowered;
	s3 =	sadd.s32 s3, s5;
	[dreg:$0x0] =	wrdreg $0x0  }
0xa8: {  	s5 =	sshll.u32 s28, $0x1;
	[dreg:$0x2] =	wrdreg s3  }
0xa9: {  	[dreg:$0x3] =	wrdreg s5  }
0xaa: {  	[dreg:$0x4] =	wrdreg $0xC0  }
0xab: {  	_ =	task [dreg:s7], $0x5FFFF  }
0xac: {  	[dreg:$0x1] =	wrdreg $0xFFFFFFFF  }
0xad: {  	[dreg:$0x0] =	wrdreg $0x60  }
0xae: {  	[dreg:$0x2] =	wrdreg s24  }
0xaf: {  	[dreg:$0x3] =	wrdreg s2  }
0xb0: {  	[dreg:$0x4] =	wrdreg $0x9  }
0xb1: {  	_ =	task.clear_ibuf [dreg:s7], $0x5FFFF;
	_ =	strace $0x90000046  }
0xb2: {  	s29 =	simm.s32 $0x9;
	_ =	strace $0x80000048  }
0xb3: {  	_ =	swait.ge [sflag:s29], $0x1  }
0xb4: {  	[sflag:s29] =	ssyncadd.s32 $0xFFFFFFFF  }
0xb5: {  	_ =	strace $0x90000048  }
0xb6: {  	_ =	sfence  }
0xb7: {  	s30 =	sld [smem:$0x0];
	_ =	sdelay $0x2  }
0xb8: {  	s31 =	sshll.u32 s1, $0xD;
	s1 =	sshrl.u32 s1, $0x2  }
0xb9: {  	s3 =	sand.u32 $0x4000, s31;
	s1 =	sadd.s32 s1, s30  }
0xba: {  	s0 =	sor.u32 s3, s0;
	s1 =	sshll.u32 s1, $0x11  }
0xbb: {  	s0 =	sor.u32 s1, s0  }
0xbc: {  	s0 =	sadd.s32 $0x8F2B, s0  }
0xbd: {  	[sflag:s0] =	ssyncadd.remote.s32 $0x1  }
0xbe: {  	_ =	sfence.sel $0xFFFF  }
0xbf: {  	[dreg:$0x0] =	wrdreg $0xFFFFFFFF;
	(pc) =	sbr.abs _section_cstart, $3  }
0xc0: {  	[dreg:$0x1] =	wrdreg $0xFFFFFFFF  }
0xc1: {  	_ =	task.clear_ibuf [dreg:s7], $0x2FFFF;
	_ =	strace $0x9FFFFFFF  }
0xc2: {  	(tm) =	ssettm $0x7FFFFFFF  }
0xc3: {  	_ =	shalt  }
tec
execute0_lowered:
.L_overlay_start_1:
0x0: {  	(tag) =	ssettag $0x1  }
0x1: {  	s0 =	srdreg.scid  }
0x2: {  	s3 =	rddreg [dreg:$0x0];
	s4 =	sand.u32 $0x1, s0  }
0x3: {  	s5 =	rddreg [dreg:$0x1];
	s1 =	stileid.u32;
	s2 =	sshll.u32 s4, $0x4  }
0x4: {  	s0 =	rddreg [dreg:$0x2];
	s6 =	sor.u32 s1, s2  }
0x5: {  	s4 =	ssub.s32 $0x2, s4;
	s2 =	simm.s32 $0x0;
	s7 =	smul.u32 $0x4E2, s6  }
0x6: {  	s8 =	sshrl.u32 s4, $0x1;
	[smem:$0x7FF] =	sst s2;
	s6 =	smul.u32 $0x500, s6  }
0x7: {  	s31 =	ssub.s32 s4, s8;
	s8 =	simm.s32 $0x0;
	_ =	strace $0x80000047  }
0x8: {  	s3 =	sadd.s32 s7, s3;
	s4 =	sadd.s32 s5, s6;
	s5 =	smax.u32 s31, $0x1  }
0x9: {  	v0 =	vimm.f32 $0.0e+00;
	s6 =	simm.s32 $0x1;
	s7 =	simm.s32 $0x2710;
	s3 =	sadd.s32 $0x1000, s3  }
.LBB2_1:
0xa: {  	s9 =	simm.s32 $0x40;
	s10 =	simm.s32 $0x0  }
.LBB2_2:
0xb: {  	p0 =	sne.s32 s9, $0x9FC0;
	[tilespmem:s10+$0x2710] =	vst v0;
	s10 =	smov.u32 s9;
	s9 =	sadd.s32 $0x40, s9  }
.Ltmp0:
0xc: {  	(pc) =	sbr.rel @p0 .LBB2_2-.Ltmp0, $2  }
0xd: {  	_ =	sdelay $0x2  }
0xe: {  	s10 =	sshra.s32 s10, $0x2  }
0xf: {  	[tilespmem:s10+$0x2710] =	vst v0;
	s9 =	simm.s32 $0x0  }
0x10: {  	[tilespmem:s9], [sflag:$0x1] =	stream.linear.gather [hbm4b:s3+s9], $0x2710, $0x38;
	[tilespmem:$0x4F10] =	vst v63  }
0x11: {  	_ =	swait.ge [sflag:s6], $0x2710  }
0x12: {  	[sflag:s6] =	ssyncset.done $0x0  }
0x13: {  	s10 =	simm.s32 $0x0;
	s9 =	simm.s32 $0x40;
	[sflag:s6] =	ssyncadd.s32 $0xFFFFD8F0  }
.LBB2_4:
0x14: {  	p0 =	sne.s32 s9, $0x9C00;
	v1 =	vld [tilespmem:s10+$0x0];
	_ =	sdelay $0x4  }
0x15: {  	(xrf1) =	vunique.msk.u32 $0xffff, v1;
	_ =	sdelay $0xd  }
0x16: {  	_, v2, vm0 =	vpop (xrf1);
	_ =	sdelay $0x1  }
.Ltmp1:
0x17: {  	(pc) =	sbr.rel @p0 .LBB2_4-.Ltmp1, $3  }
0x18: {  	_ = 	snop  }
0x19: {  	v2 =	vcvt.s32.f32 v2;
	_ =	sdelay $0x1  }
0x1a: {  	s10 =	sshra.s32 s9, $0x2;
	s9 =	sadd.s32 $0x40, s9;
	[tilespmem:v1+s7+$0x0] =	vst.idx.add.f32.msk vm0, v2  }
0x1b: {  	v1 =	vld [tilespmem:s10+$0x0];
	_ =	sdelay $0x4  }
0x1c: {  	(xrf1) =	vunique.msk.u32 $0xffff, v1;
	_ =	sdelay $0xd  }
0x1d: {  	_, v2, vm0 =	vpop (xrf1);
	_ =	sdelay $0x3  }
0x1e: {  	s8 =	sadd.s32 $0x1, s8;
	v2 =	vcvt.s32.f32 v2  }
0x1f: {  	p0 =	sne.s32 s8, s5  }
.Ltmp2:
0x20: {  	[tilespmem:v1+s7+$0x0] =	vst.idx.add.f32.msk vm0, v2;
	(pc) =	sbr.rel @p0 .LBB2_1-.Ltmp2, $4  }
0x21: {  	[hbm4b:s4+s2] =	stream.linear.scatter [tilespmem:s7], [sflag:$0x1], $0x2800, $0x38;
	[tilespmem:$0x4F10] =	vst v63  }
0x22: {  	_ =	swait.ge [sflag:s6], $0x2800  }
0x23: {  	[sflag:s6] =	ssyncset.done $0x0  }
0x24: {  	[sflag:s6] =	ssyncadd.s32 $0xFFFFD800  }
0x25: {  	_ =	sfence.sel $0x180000  }
0x26: {  	[bflag:$0x0] =	sbarrier.arrive $0xFFFF  }
0x27: {  	p0 =	sne.s32 s1, $0x0;
	_ =	strace $0x90000047  }
0x28: {  	s0 =	sadd.s32 @!p0 $0x100000, s0;
	[bflag:$0x2] =	sbarrier.arrive $0xFFFF  }
0x29: {  	[sflag:s0] =	ssyncadd.tile.s32 @!p0 $0x1;
	_ =	shalt  }
.Lfunc_end2:
_tile_overlayer_lowered:
.L_overlay_start_2:
0x2a: {  	(tag) =	ssettag $0x2  }
0x2b: {  	s0 =	rddreg [dreg:$0x0];
	s2 =	stileid.u32  }
0x2c: {  	s1 =	rddreg [dreg:$0x1];
	p0 =	sne.s32 s2, $0x0  }
0x2d: {  	s3 =	rddreg [dreg:$0x2];
	[bflag:$0x3] =	sbarrier.arrive $0xFFFF;
	s2 =	simm.s32 @!p0 $0x1C01  }
0x2e: {  	[timem:s3], [sflag:s2] =	dma.local @!p0 [hbm:s0], s1  }
0x2f: {  	s0 =	simm.s32 @!p0 $0x1  }
0x30: {  	_ =	swait.ge @!p0 [sflag:s0], s1  }
0x31: {  	s1 =	ssub.s32 @!p0 $0x0, s1;
	[sflag:s0] =	ssyncset.done @!p0 $0x0  }
0x32: {  	[sflag:s0] =	ssyncadd.s32 @!p0 s1  }
0x33: {  	[bflag:$0x3] =	sbarrier.arrive $0xFFFF  }
0x34: {  	_ =	shalt  }

</sc_bundles>
